<compile_context>
chip_gen: v7x
topology: tpu7x:2x2x1
jax: 0.10.2.dev20260603
libtpu: 0.0.44.dev20260713+nightly
codegen_flags: <defaults>
</compile_context>

<pallas_src>
import functools

import jax
import jax.numpy as jnp
from jax import lax
from jax.experimental import pallas as pl
from jax.experimental.pallas import tpu as pltpu
from jax.experimental.pallas import tpu_sc as plsc

B = 100000
D = 200
V = 120
H = 128
NC = 2
NS = 16
NW = NC * NS
C = 128
NFULL = B // C
TAIL = B - NFULL * C
TAIL_WORKER = NW - 1
NKMAX = -(-NFULL // NW)
REM = NFULL - (NKMAX - 1) * NW
NB = 2

_mesh = plsc.VectorSubcoreMesh(core_axis_name="c", subcore_axis_name="s")


@functools.partial(
    pl.kernel,
    mesh=_mesh,
    compiler_params=pltpu.CompilerParams(needs_layout_passes=False),
    out_type=jax.ShapeDtypeStruct((B, D), jnp.float32),
    scratch_types=[
        pltpu.VMEM((NKMAX * C,), jnp.int32),
        pltpu.VMEM((V, H), jnp.float32),
        pltpu.VMEM((V, H), jnp.float32),
        pltpu.VMEM((NB, C, H), jnp.float32),
        pltpu.VMEM((NB, C, H), jnp.float32),
        pltpu.SemaphoreType.DMA,
        pltpu.SemaphoreType.DMA,
    ],
)
def _gather_kernel(idx_hbm, ta_hbm, tb_hbm, out_hbm, idx_v, ta_v, tb_v,
                   ra_v, rb_v, sem_i, sem_s):
    wid = lax.axis_index("s") * NC + lax.axis_index("c")
    nk = jnp.where(wid < REM, NKMAX, NKMAX - 1)
    start = jnp.where(wid < REM, wid * NKMAX,
                      REM * NKMAX + (wid - REM) * (NKMAX - 1))
    lanes = jnp.arange(16, dtype=jnp.int32)
    h_dyn = wid * 0 + H

    pltpu.sync_copy(ta_hbm, ta_v)
    pltpu.sync_copy(tb_hbm, tb_v)

    def chunk_base(k):
        return (start + k) * C

    @pl.when(wid < REM)
    def _():
        pltpu.async_copy(idx_hbm.at[pl.ds(start * C, NKMAX * C)],
                         idx_v.at[pl.ds(0, NKMAX * C)], sem_i)

    @pl.when(wid >= REM)
    def _():
        pltpu.async_copy(idx_hbm.at[pl.ds(start * C, (NKMAX - 1) * C)],
                         idx_v.at[pl.ds(0, (NKMAX - 1) * C)], sem_i)

    @pl.when(wid == TAIL_WORKER)
    def _():
        pltpu.sync_copy(idx_hbm.at[pl.ds(NFULL * C, TAIL)],
                        idx_v.at[pl.ds((NKMAX - 1) * C, TAIL)])

    def expand(k, buf, ngroups):
        rvecs = [idx_v[pl.ds(k * C + g * 16, 16)] for g in range(ngroups)]

        @plsc.parallel_loop(0, H, unroll=8, carry=tuple(rvecs))
        def col_body(c, carry):
            colv = lax.bitwise_and(c + lanes, H - 1)
            for g in range(len(rvecs)):
                rowv = lanes + (g * 16)
                a = plsc.load_gather(ta_v, [carry[g], colv])
                plsc.store_scatter(ra_v.at[buf], [rowv, colv], a)
                b = plsc.load_gather(tb_v, [carry[g], colv])
                plsc.store_scatter(rb_v.at[buf], [rowv, colv], b)
            return carry

    def store_issue(k, buf):
        pltpu.async_copy(ra_v.at[buf],
                         out_hbm.at[pl.ds(chunk_base(k), C), pl.ds(0, H)],
                         sem_s)
        pltpu.async_copy(rb_v.at[buf],
                         out_hbm.at[pl.ds(chunk_base(k), C), pl.ds(h_dyn, H)],
                         sem_s)

    def store_wait():
        pltpu.make_async_copy(ra_v.at[0],
                              out_hbm.at[pl.ds(0, C), pl.ds(0, H)],
                              sem_s).wait()

    @pl.when(wid < REM)
    def _():
        pltpu.make_async_copy(idx_hbm.at[pl.ds(0, NKMAX * C)],
                              idx_v.at[pl.ds(0, NKMAX * C)], sem_i).wait()

    @pl.when(wid >= REM)
    def _():
        pltpu.make_async_copy(idx_hbm.at[pl.ds(0, (NKMAX - 1) * C)],
                              idx_v.at[pl.ds(0, (NKMAX - 1) * C)], sem_i).wait()

    def body(k, carry):
        buf = lax.rem(k, NB)

        @pl.when(k >= NB)
        def _():
            store_wait()
            store_wait()

        expand(k, buf, C // 16)
        store_issue(k, buf)
        return carry

    lax.fori_loop(0, nk, body, 0)

    def drain(j, carry):
        store_wait()
        store_wait()
        return carry
    lax.fori_loop(0, lax.min(nk, NB), drain, 0)

    @pl.when(wid == TAIL_WORKER)
    def _():
        expand(NKMAX - 1, 0, TAIL // 16)
        pltpu.sync_copy(ra_v.at[0, pl.ds(0, TAIL)],
                        out_hbm.at[pl.ds(NFULL * C, TAIL), pl.ds(0, H)])
        pltpu.sync_copy(rb_v.at[0, pl.ds(0, TAIL)],
                        out_hbm.at[pl.ds(NFULL * C, TAIL), pl.ds(h_dyn, H)])


def kernel(x, atom_fea):
    ta = atom_fea[:, :H]
    tb = jnp.pad(atom_fea[:, H:], ((0, 0), (0, 2 * H - D)))
    return _gather_kernel(x.astype(jnp.int32), ta, tb)

# --- scband reference (transcript-rebuilt; emitter-appended) ---
"""Pipeline reference for scband-atom-featurizer-6811818131836 (READ-ONLY COPY).

The authoritative reference and input builder live on the scoring server;
editing this copy changes nothing except your own understanding.
"""

import jax, jax.numpy as jnp
import numpy as np

VOCAB = 120  # zeros row + 118 element rows + ones row (mat2vec.csv format)
DIM = 200

def setup_inputs(seed: int = 0) -> dict:
    key = jax.random.key(seed)
    k1, k2 = jax.random.split(key)
    x = jax.random.randint(k1, (100000,), 0, VOCAB, dtype=jnp.int64)
    # Materialize the learned/loaded atom feature table per the module's construction:
    # row 0 = zeros, rows 1..118 = element features, row 119 = ones.
    mid = jax.random.normal(k2, (VOCAB - 2, DIM), dtype=jnp.float32)
    atom_fea = jnp.concatenate([
        jnp.zeros((1, DIM), dtype=jnp.float32),
        mid,
        jnp.ones((1, DIM), dtype=jnp.float32),
    ], axis=0)
    return {"x": x, "atom_fea": atom_fea}

def reference(x, atom_fea):
    # torch: torch.squeeze(self.atom_fea[x.long()])
    out = jnp.take(atom_fea, x.astype(jnp.int32), axis=0)
    return jnp.squeeze(out)

if __name__ == "__main__":
    import jax
    _d = setup_inputs()
    print(jax.jit(kernel)(*tuple(_d.values())))

</pallas_src>

<mosaic_0001>
#map = affine_map<(d0, d1) -> (0)>
#map1 = affine_map<(d0, d1) -> (0, 0)>
module attributes {stable_mosaic.version = 14 : i64} {
  func.func @_gather_kernel(%arg0: i32, %arg1: i32, %arg2: memref<100000xi32, #tpu.memory_space<hbm>>, %arg3: memref<120x128xf32, #tpu.memory_space<hbm>>, %arg4: memref<120x128xf32, #tpu.memory_space<hbm>>, %arg5: memref<100000x200xf32, #tpu.memory_space<hbm>>, %arg6: memref<3200xi32, #tpu.memory_space<vmem>>, %arg7: memref<120x128xf32, #tpu.memory_space<vmem>>, %arg8: memref<120x128xf32, #tpu.memory_space<vmem>>, %arg9: memref<2x128x128xf32, #tpu.memory_space<vmem>>, %arg10: memref<2x128x128xf32, #tpu.memory_space<vmem>>, %arg11: memref<!tpu.dma_semaphore, #tpu.memory_space<semaphore_mem>>, %arg12: memref<!tpu.dma_semaphore, #tpu.memory_space<semaphore_mem>>) attributes {dimension_semantics = [#tpu.dimension_semantics<core_parallel>, #tpu.dimension_semantics<subcore_parallel>], iteration_bounds = array<i64: 2, 16>, scalar_prefetch = 0 : i64, scratch_operands = 7 : i64, tpu.core_type = #tpu.core_type<sc_vector_subcore>, window_params = [{transform_indices = #map}, {transform_indices = #map1}, {transform_indices = #map1}, {transform_indices = #map1}]} {
    %mul3A = arith.constant 2 : i32
    %mul3A_0 = arith.muli %arg1, %mul3A : i32
    %add3A = arith.addi %mul3A_0, %arg0 : i32
    %lt3A = arith.constant 13 : i32
    %lt3A_1 = arith.cmpi slt, %add3A, %lt3A : i32
    %jit3A = arith.constant 25 : i32
    %jit3A_2 = arith.constant 24 : i32
    %select_n3A = arith.select %lt3A_1, %jit3A, %jit3A_2 : i32
    %lt3A_3 = arith.constant 13 : i32
    %lt3A_4 = arith.cmpi slt, %add3A, %lt3A_3 : i32
    %mul3A_5 = arith.constant 25 : i32
    %mul3A_6 = arith.muli %add3A, %mul3A_5 : i32
    %sub3A = arith.constant 13 : i32
    %sub3A_7 = arith.subi %add3A, %sub3A : i32
    %mul3A_8 = arith.constant 24 : i32
    %mul3A_9 = arith.muli %sub3A_7, %mul3A_8 : i32
    %add3A_10 = arith.constant 325 : i32
    %add3A_11 = arith.addi %add3A_10, %mul3A_9 : i32
    %select_n3A_12 = arith.select %lt3A_4, %mul3A_6, %add3A_11 : i32
    %iota3A = tpu.iota {dimensions = array<i32: 0>} : vector<16xi32>
    %mul3A_13 = arith.constant 0 : i32
    %mul3A_14 = arith.muli %add3A, %mul3A_13 : i32
    %add3A_15 = arith.constant 128 : i32
    %add3A_16 = arith.addi %mul3A_14, %add3A_15 : i32
    "tpu.region"() ({
      %run_scoped3A = tpu.sem_alloc : memref<!tpu.dma_semaphore, #tpu.memory_space<semaphore_mem>>
      tpu.enqueue_dma source(%arg3 : memref<120x128xf32, #tpu.memory_space<hbm>>) target(%arg7 : memref<120x128xf32, #tpu.memory_space<vmem>>) target_semaphore(%run_scoped3A : memref<!tpu.dma_semaphore, #tpu.memory_space<semaphore_mem>>)
      tpu.wait_dma2 semaphore(%run_scoped3A : memref<!tpu.dma_semaphore, #tpu.memory_space<semaphore_mem>>) src(%arg3 : memref<120x128xf32, #tpu.memory_space<hbm>>) dst(%arg7 : memref<120x128xf32, #tpu.memory_space<vmem>>)
      tpu.yield
    }) : () -> ()
    "tpu.region"() ({
      %run_scoped3A = tpu.sem_alloc : memref<!tpu.dma_semaphore, #tpu.memory_space<semaphore_mem>>
      tpu.enqueue_dma source(%arg4 : memref<120x128xf32, #tpu.memory_space<hbm>>) target(%arg8 : memref<120x128xf32, #tpu.memory_space<vmem>>) target_semaphore(%run_scoped3A : memref<!tpu.dma_semaphore, #tpu.memory_space<semaphore_mem>>)
      tpu.wait_dma2 semaphore(%run_scoped3A : memref<!tpu.dma_semaphore, #tpu.memory_space<semaphore_mem>>) src(%arg4 : memref<120x128xf32, #tpu.memory_space<hbm>>) dst(%arg8 : memref<120x128xf32, #tpu.memory_space<vmem>>)
      tpu.yield
    }) : () -> ()
    %lt3A_17 = arith.constant 13 : i32
    %lt3A_18 = arith.cmpi slt, %add3A, %lt3A_17 : i32
    %convert_element_type3A = arith.extui %lt3A_18 : i1 to i32
    %cond3A = arith.constant 0 : i32
    %cond3A_19 = arith.cmpi ne, %convert_element_type3A, %cond3A : i32
    scf.if %cond3A_19 {
      %mul3A_63 = arith.constant 128 : i32
      %mul3A_64 = arith.muli %select_n3A_12, %mul3A_63 : i32
      %dma_start3A = arith.constant 0 : i32
      %dma_start3A_65 = tpu.memref_slice %arg6[%dma_start3A] : memref<3200xi32, #tpu.memory_space<vmem>> -> memref<3200xi32, #tpu.memory_space<vmem>>
      %dma_start3A_66 = tpu.memref_slice %arg2[%mul3A_64] : memref<100000xi32, #tpu.memory_space<hbm>> -> memref<3200xi32, #tpu.memory_space<hbm>>
      %dma_start3A_67 = arith.constant 0 : i32
      %dma_start3A_68 = tpu.memref_slice %arg6[%dma_start3A_67] : memref<3200xi32, #tpu.memory_space<vmem>> -> memref<3200xi32, #tpu.memory_space<vmem>>
      %dma_start3A_69 = tpu.memref_slice %arg2[%mul3A_64] : memref<100000xi32, #tpu.memory_space<hbm>> -> memref<3200xi32, #tpu.memory_space<hbm>>
      tpu.enqueue_dma source(%dma_start3A_69 : memref<3200xi32, #tpu.memory_space<hbm>>) target(%dma_start3A_68 : memref<3200xi32, #tpu.memory_space<vmem>>) target_semaphore(%arg11 : memref<!tpu.dma_semaphore, #tpu.memory_space<semaphore_mem>>)
    } else {
    }
    %ge3A = arith.constant 13 : i32
    %ge3A_20 = arith.cmpi sge, %add3A, %ge3A : i32
    %convert_element_type3A_21 = arith.extui %ge3A_20 : i1 to i32
    %cond3A_22 = arith.constant 0 : i32
    %cond3A_23 = arith.cmpi ne, %convert_element_type3A_21, %cond3A_22 : i32
    scf.if %cond3A_23 {
      %mul3A_63 = arith.constant 128 : i32
      %mul3A_64 = arith.muli %select_n3A_12, %mul3A_63 : i32
      %dma_start3A = arith.constant 0 : i32
      %dma_start3A_65 = tpu.memref_slice %arg6[%dma_start3A] : memref<3200xi32, #tpu.memory_space<vmem>> -> memref<3072xi32, #tpu.memory_space<vmem>>
      %dma_start3A_66 = tpu.memref_slice %arg2[%mul3A_64] : memref<100000xi32, #tpu.memory_space<hbm>> -> memref<3072xi32, #tpu.memory_space<hbm>>
      %dma_start3A_67 = arith.constant 0 : i32
      %dma_start3A_68 = tpu.memref_slice %arg6[%dma_start3A_67] : memref<3200xi32, #tpu.memory_space<vmem>> -> memref<3072xi32, #tpu.memory_space<vmem>>
      %dma_start3A_69 = tpu.memref_slice %arg2[%mul3A_64] : memref<100000xi32, #tpu.memory_space<hbm>> -> memref<3072xi32, #tpu.memory_space<hbm>>
      tpu.enqueue_dma source(%dma_start3A_69 : memref<3072xi32, #tpu.memory_space<hbm>>) target(%dma_start3A_68 : memref<3072xi32, #tpu.memory_space<vmem>>) target_semaphore(%arg11 : memref<!tpu.dma_semaphore, #tpu.memory_space<semaphore_mem>>)
    } else {
    }
    %eq3A = arith.constant 31 : i32
    %eq3A_24 = arith.cmpi eq, %add3A, %eq3A : i32
    %convert_element_type3A_25 = arith.extui %eq3A_24 : i1 to i32
    %cond3A_26 = arith.constant 0 : i32
    %cond3A_27 = arith.cmpi ne, %convert_element_type3A_25, %cond3A_26 : i32
    scf.if %cond3A_27 {
      "tpu.region"() ({
        %run_scoped3A = tpu.sem_alloc : memref<!tpu.dma_semaphore, #tpu.memory_space<semaphore_mem>>
        %dma_start3A = arith.constant 3072 : i32
        %dma_start3A_63 = tpu.memref_slice %arg6[%dma_start3A] : memref<3200xi32, #tpu.memory_space<vmem>> -> memref<32xi32, #tpu.memory_space<vmem>>
        %dma_start3A_64 = arith.constant 99968 : i32
        %dma_start3A_65 = tpu.memref_slice %arg2[%dma_start3A_64] : memref<100000xi32, #tpu.memory_space<hbm>> -> memref<32xi32, #tpu.memory_space<hbm>>
        %dma_start3A_66 = arith.constant 3072 : i32
        %dma_start3A_67 = tpu.memref_slice %arg6[%dma_start3A_66] : memref<3200xi32, #tpu.memory_space<vmem>> -> memref<32xi32, #tpu.memory_space<vmem>>
        %dma_start3A_68 = arith.constant 99968 : i32
        %dma_start3A_69 = tpu.memref_slice %arg2[%dma_start3A_68] : memref<100000xi32, #tpu.memory_space<hbm>> -> memref<32xi32, #tpu.memory_space<hbm>>
        tpu.enqueue_dma source(%dma_start3A_69 : memref<32xi32, #tpu.memory_space<hbm>>) target(%dma_start3A_67 : memref<32xi32, #tpu.memory_space<vmem>>) target_semaphore(%run_scoped3A : memref<!tpu.dma_semaphore, #tpu.memory_space<semaphore_mem>>)
        %dma_wait3A = arith.constant 3072 : i32
        %dma_wait3A_70 = tpu.memref_slice %arg6[%dma_wait3A] : memref<3200xi32, #tpu.memory_space<vmem>> -> memref<32xi32, #tpu.memory_space<vmem>>
        %dma_wait3A_71 = arith.constant 99968 : i32
        %dma_wait3A_72 = tpu.memref_slice %arg2[%dma_wait3A_71] : memref<100000xi32, #tpu.memory_space<hbm>> -> memref<32xi32, #tpu.memory_space<hbm>>
        %dma_wait3A_73 = arith.constant 3072 : i32
        %dma_wait3A_74 = tpu.memref_slice %arg6[%dma_wait3A_73] : memref<3200xi32, #tpu.memory_space<vmem>> -> memref<32xi32, #tpu.memory_space<vmem>>
        %dma_wait3A_75 = arith.constant 99968 : i32
        %dma_wait3A_76 = tpu.memref_slice %arg2[%dma_wait3A_75] : memref<100000xi32, #tpu.memory_space<hbm>> -> memref<32xi32, #tpu.memory_space<hbm>>
        tpu.wait_dma2 semaphore(%run_scoped3A : memref<!tpu.dma_semaphore, #tpu.memory_space<semaphore_mem>>) src(%dma_wait3A_76 : memref<32xi32, #tpu.memory_space<hbm>>) dst(%dma_wait3A_74 : memref<32xi32, #tpu.memory_space<vmem>>)
        tpu.yield
      }) : () -> ()
    } else {
    }
    %lt3A_28 = arith.constant 13 : i32
    %lt3A_29 = arith.cmpi slt, %add3A, %lt3A_28 : i32
    %convert_element_type3A_30 = arith.extui %lt3A_29 : i1 to i32
    %cond3A_31 = arith.constant 0 : i32
    %cond3A_32 = arith.cmpi ne, %convert_element_type3A_30, %cond3A_31 : i32
    scf.if %cond3A_32 {
      %dma_wait3A = arith.constant 0 : i32
      %dma_wait3A_63 = tpu.memref_slice %arg6[%dma_wait3A] : memref<3200xi32, #tpu.memory_space<vmem>> -> memref<3200xi32, #tpu.memory_space<vmem>>
      %dma_wait3A_64 = arith.constant 0 : i32
      %dma_wait3A_65 = tpu.memref_slice %arg2[%dma_wait3A_64] : memref<100000xi32, #tpu.memory_space<hbm>> -> memref<3200xi32, #tpu.memory_space<hbm>>
      %dma_wait3A_66 = arith.constant 0 : i32
      %dma_wait3A_67 = tpu.memref_slice %arg6[%dma_wait3A_66] : memref<3200xi32, #tpu.memory_space<vmem>> -> memref<3200xi32, #tpu.memory_space<vmem>>
      %dma_wait3A_68 = arith.constant 0 : i32
      %dma_wait3A_69 = tpu.memref_slice %arg2[%dma_wait3A_68] : memref<100000xi32, #tpu.memory_space<hbm>> -> memref<3200xi32, #tpu.memory_space<hbm>>
      tpu.wait_dma2 semaphore(%arg11 : memref<!tpu.dma_semaphore, #tpu.memory_space<semaphore_mem>>) src(%dma_wait3A_69 : memref<3200xi32, #tpu.memory_space<hbm>>) dst(%dma_wait3A_67 : memref<3200xi32, #tpu.memory_space<vmem>>)
    } else {
    }
    %ge3A_33 = arith.constant 13 : i32
    %ge3A_34 = arith.cmpi sge, %add3A, %ge3A_33 : i32
    %convert_element_type3A_35 = arith.extui %ge3A_34 : i1 to i32
    %cond3A_36 = arith.constant 0 : i32
    %cond3A_37 = arith.cmpi ne, %convert_element_type3A_35, %cond3A_36 : i32
    scf.if %cond3A_37 {
      %dma_wait3A = arith.constant 0 : i32
      %dma_wait3A_63 = tpu.memref_slice %arg6[%dma_wait3A] : memref<3200xi32, #tpu.memory_space<vmem>> -> memref<3072xi32, #tpu.memory_space<vmem>>
      %dma_wait3A_64 = arith.constant 0 : i32
      %dma_wait3A_65 = tpu.memref_slice %arg2[%dma_wait3A_64] : memref<100000xi32, #tpu.memory_space<hbm>> -> memref<3072xi32, #tpu.memory_space<hbm>>
      %dma_wait3A_66 = arith.constant 0 : i32
      %dma_wait3A_67 = tpu.memref_slice %arg6[%dma_wait3A_66] : memref<3200xi32, #tpu.memory_space<vmem>> -> memref<3072xi32, #tpu.memory_space<vmem>>
      %dma_wait3A_68 = arith.constant 0 : i32
      %dma_wait3A_69 = tpu.memref_slice %arg2[%dma_wait3A_68] : memref<100000xi32, #tpu.memory_space<hbm>> -> memref<3072xi32, #tpu.memory_space<hbm>>
      tpu.wait_dma2 semaphore(%arg11 : memref<!tpu.dma_semaphore, #tpu.memory_space<semaphore_mem>>) src(%dma_wait3A_69 : memref<3072xi32, #tpu.memory_space<hbm>>) dst(%dma_wait3A_67 : memref<3072xi32, #tpu.memory_space<vmem>>)
    } else {
    }
    %while3A = arith.constant 0 : i32
    %while3A_38 = arith.constant 0 : i32
    %while3A_39 = arith.subi %select_n3A, %while3A_38 : i32
    %while3A_40 = arith.addi %while3A_38, %while3A_39 : i32
    %while3A_41 = arith.constant 1 : i32
    %while3A_42 = arith.divsi %while3A_39, %while3A_41 : i32
    %while3A_43 = arith.muli %while3A_42, %while3A_41 : i32
    %while3A_44 = arith.addi %while3A_38, %while3A_43 : i32
    %while3A_45 = arith.constant 1 : i32
    scf.for %while3A_63 = %while3A_38 to %while3A_44 step %while3A_45  : i32 {
      %rem3A = arith.constant 2 : i32
      %rem3A_64 = arith.remsi %while3A_63, %rem3A : i32
      %ge3A_65 = arith.constant 2 : i32
      %ge3A_66 = arith.cmpi sge, %while3A_63, %ge3A_65 : i32
      %convert_element_type3A_67 = arith.extui %ge3A_66 : i1 to i32
      %cond3A_68 = arith.constant 0 : i32
      %cond3A_69 = arith.cmpi ne, %convert_element_type3A_67, %cond3A_68 : i32
      scf.if %cond3A_69 {
        %dma_wait3A = arith.constant 0 : i32
        %dma_wait3A_147 = arith.constant 0 : i32
        %dma_wait3A_148 = arith.constant 0 : i32
        %dma_wait3A_149 = tpu.memref_slice %arg9[%dma_wait3A, %dma_wait3A_147, %dma_wait3A_148] : memref<2x128x128xf32, #tpu.memory_space<vmem>> -> memref<1x128x128xf32, #tpu.memory_space<vmem>>
        %dma_wait3A_150 = tpu.memref_squeeze %dma_wait3A_149 : memref<1x128x128xf32, #tpu.memory_space<vmem>> -> memref<128x128xf32, #tpu.memory_space<vmem>>
        %dma_wait3A_151 = arith.constant 0 : i32
        %dma_wait3A_152 = arith.constant 0 : i32
        %dma_wait3A_153 = tpu.memref_slice %arg5[%dma_wait3A_151, %dma_wait3A_152] : memref<100000x200xf32, #tpu.memory_space<hbm>> -> memref<128x128xf32, #tpu.memory_space<hbm>>
        %dma_wait3A_154 = arith.constant 0 : i32
        %dma_wait3A_155 = arith.constant 0 : i32
        %dma_wait3A_156 = tpu.memref_slice %arg5[%dma_wait3A_154, %dma_wait3A_155] : memref<100000x200xf32, #tpu.memory_space<hbm>> -> memref<128x128xf32, #tpu.memory_space<hbm>>
        %dma_wait3A_157 = arith.constant 0 : i32
        %dma_wait3A_158 = arith.constant 0 : i32
        %dma_wait3A_159 = tpu.memref_slice %arg9[%dma_wait3A, %dma_wait3A_157, %dma_wait3A_158] : memref<2x128x128xf32, #tpu.memory_space<vmem>> -> memref<1x128x128xf32, #tpu.memory_space<vmem>>
        %dma_wait3A_160 = tpu.memref_squeeze %dma_wait3A_159 : memref<1x128x128xf32, #tpu.memory_space<vmem>> -> memref<128x128xf32, #tpu.memory_space<vmem>>
        tpu.wait_dma2 semaphore(%arg12 : memref<!tpu.dma_semaphore, #tpu.memory_space<semaphore_mem>>) src(%dma_wait3A_160 : memref<128x128xf32, #tpu.memory_space<vmem>>) dst(%dma_wait3A_156 : memref<128x128xf32, #tpu.memory_space<hbm>>)
        %dma_wait3A_161 = arith.constant 0 : i32
        %dma_wait3A_162 = arith.constant 0 : i32
        %dma_wait3A_163 = arith.constant 0 : i32
        %dma_wait3A_164 = tpu.memref_slice %arg9[%dma_wait3A_161, %dma_wait3A_162, %dma_wait3A_163] : memref<2x128x128xf32, #tpu.memory_space<vmem>> -> memref<1x128x128xf32, #tpu.memory_space<vmem>>
        %dma_wait3A_165 = tpu.memref_squeeze %dma_wait3A_164 : memref<1x128x128xf32, #tpu.memory_space<vmem>> -> memref<128x128xf32, #tpu.memory_space<vmem>>
        %dma_wait3A_166 = arith.constant 0 : i32
        %dma_wait3A_167 = arith.constant 0 : i32
        %dma_wait3A_168 = tpu.memref_slice %arg5[%dma_wait3A_166, %dma_wait3A_167] : memref<100000x200xf32, #tpu.memory_space<hbm>> -> memref<128x128xf32, #tpu.memory_space<hbm>>
        %dma_wait3A_169 = arith.constant 0 : i32
        %dma_wait3A_170 = arith.constant 0 : i32
        %dma_wait3A_171 = tpu.memref_slice %arg5[%dma_wait3A_169, %dma_wait3A_170] : memref<100000x200xf32, #tpu.memory_space<hbm>> -> memref<128x128xf32, #tpu.memory_space<hbm>>
        %dma_wait3A_172 = arith.constant 0 : i32
        %dma_wait3A_173 = arith.constant 0 : i32
        %dma_wait3A_174 = tpu.memref_slice %arg9[%dma_wait3A_161, %dma_wait3A_172, %dma_wait3A_173] : memref<2x128x128xf32, #tpu.memory_space<vmem>> -> memref<1x128x128xf32, #tpu.memory_space<vmem>>
        %dma_wait3A_175 = tpu.memref_squeeze %dma_wait3A_174 : memref<1x128x128xf32, #tpu.memory_space<vmem>> -> memref<128x128xf32, #tpu.memory_space<vmem>>
        tpu.wait_dma2 semaphore(%arg12 : memref<!tpu.dma_semaphore, #tpu.memory_space<semaphore_mem>>) src(%dma_wait3A_175 : memref<128x128xf32, #tpu.memory_space<vmem>>) dst(%dma_wait3A_171 : memref<128x128xf32, #tpu.memory_space<hbm>>)
      } else {
      }
      %mul3A_70 = arith.constant 128 : i32
      %mul3A_71 = arith.muli %while3A_63, %mul3A_70 : i32
      %add3A_72 = arith.constant 0 : i32
      %add3A_73 = arith.addi %mul3A_71, %add3A_72 : i32
      %get3A = arith.index_cast %add3A_73 : i32 to index
      %get3A_74 = tpu.vector_load %arg6[%get3A] {strides = array<i32>} : memref<3200xi32, #tpu.memory_space<vmem>>, vector<16xi32>,
      %mul3A_75 = arith.constant 128 : i32
      %mul3A_76 = arith.muli %while3A_63, %mul3A_75 : i32
      %add3A_77 = arith.constant 16 : i32
      %add3A_78 = arith.addi %mul3A_76, %add3A_77 : i32
      %get3A_79 = arith.index_cast %add3A_78 : i32 to index
      %get3A_80 = tpu.vector_load %arg6[%get3A_79] {strides = array<i32>} : memref<3200xi32, #tpu.memory_space<vmem>>, vector<16xi32>,
      %mul3A_81 = arith.constant 128 : i32
      %mul3A_82 = arith.muli %while3A_63, %mul3A_81 : i32
      %add3A_83 = arith.constant 32 : i32
      %add3A_84 = arith.addi %mul3A_82, %add3A_83 : i32
      %get3A_85 = arith.index_cast %add3A_84 : i32 to index
      %get3A_86 = tpu.vector_load %arg6[%get3A_85] {strides = array<i32>} : memref<3200xi32, #tpu.memory_space<vmem>>, vector<16xi32>,
      %mul3A_87 = arith.constant 128 : i32
      %mul3A_88 = arith.muli %while3A_63, %mul3A_87 : i32
      %add3A_89 = arith.constant 48 : i32
      %add3A_90 = arith.addi %mul3A_88, %add3A_89 : i32
      %get3A_91 = arith.index_cast %add3A_90 : i32 to index
      %get3A_92 = tpu.vector_load %arg6[%get3A_91] {strides = array<i32>} : memref<3200xi32, #tpu.memory_space<vmem>>, vector<16xi32>,
      %mul3A_93 = arith.constant 128 : i32
      %mul3A_94 = arith.muli %while3A_63, %mul3A_93 : i32
      %add3A_95 = arith.constant 64 : i32
      %add3A_96 = arith.addi %mul3A_94, %add3A_95 : i32
      %get3A_97 = arith.index_cast %add3A_96 : i32 to index
      %get3A_98 = tpu.vector_load %arg6[%get3A_97] {strides = array<i32>} : memref<3200xi32, #tpu.memory_space<vmem>>, vector<16xi32>,
      %mul3A_99 = arith.constant 128 : i32
      %mul3A_100 = arith.muli %while3A_63, %mul3A_99 : i32
      %add3A_101 = arith.constant 80 : i32
      %add3A_102 = arith.addi %mul3A_100, %add3A_101 : i32
      %get3A_103 = arith.index_cast %add3A_102 : i32 to index
      %get3A_104 = tpu.vector_load %arg6[%get3A_103] {strides = array<i32>} : memref<3200xi32, #tpu.memory_space<vmem>>, vector<16xi32>,
      %mul3A_105 = arith.constant 128 : i32
      %mul3A_106 = arith.muli %while3A_63, %mul3A_105 : i32
      %add3A_107 = arith.constant 96 : i32
      %add3A_108 = arith.addi %mul3A_106, %add3A_107 : i32
      %get3A_109 = arith.index_cast %add3A_108 : i32 to index
      %get3A_110 = tpu.vector_load %arg6[%get3A_109] {strides = array<i32>} : memref<3200xi32, #tpu.memory_space<vmem>>, vector<16xi32>,
      %mul3A_111 = arith.constant 128 : i32
      %mul3A_112 = arith.muli %while3A_63, %mul3A_111 : i32
      %add3A_113 = arith.constant 112 : i32
      %add3A_114 = arith.addi %mul3A_112, %add3A_113 : i32
      %get3A_115 = arith.index_cast %add3A_114 : i32 to index
      %get3A_116 = tpu.vector_load %arg6[%get3A_115] {strides = array<i32>} : memref<3200xi32, #tpu.memory_space<vmem>>, vector<16xi32>,
      %parallel_loop3A = arith.constant 0 : i32
      %parallel_loop3A_117 = arith.constant 128 : i32
      %parallel_loop3A_118 = arith.constant 1 : i32
      %parallel_loop3A_119:8 = scf.for %parallel_loop3A_147 = %parallel_loop3A to %parallel_loop3A_117 step %parallel_loop3A_118 iter_args(%parallel_loop3A_148 = %get3A_74, %parallel_loop3A_149 = %get3A_80, %parallel_loop3A_150 = %get3A_86, %parallel_loop3A_151 = %get3A_92, %parallel_loop3A_152 = %get3A_98, %parallel_loop3A_153 = %get3A_104, %parallel_loop3A_154 = %get3A_110, %parallel_loop3A_155 = %get3A_116) -> (vector<16xi32>, vector<16xi32>, vector<16xi32>, vector<16xi32>, vector<16xi32>, vector<16xi32>, vector<16xi32>, vector<16xi32>)  : i32 {
        %parallel_loop3A_156 = vector.broadcast %parallel_loop3A_147 : i32 to vector<16xi32>
        %parallel_loop3A_157 = arith.addi %parallel_loop3A_156, %iota3A : vector<16xi32>
        %parallel_loop3A_158 = arith.constant 127 : i32
        %parallel_loop3A_159 = vector.broadcast %parallel_loop3A_158 : i32 to vector<16xi32>
        %parallel_loop3A_160 = arith.andi %parallel_loop3A_157, %parallel_loop3A_159 : vector<16xi32>
        %parallel_loop3A_161 = arith.constant 0 : i32
        %parallel_loop3A_162 = vector.broadcast %parallel_loop3A_161 : i32 to vector<16xi32>
        %parallel_loop3A_163 = arith.addi %iota3A, %parallel_loop3A_162 : vector<16xi32>
        %parallel_loop3A_164 = tpu.vector_load_idx %arg7[%parallel_loop3A_148, %parallel_loop3A_160] : memref<120x128xf32, #tpu.memory_space<vmem>>[vector<16xi32>, vector<16xi32>], vector<16xf32>,
        %parallel_loop3A_165 = arith.constant 0 : i32
        %parallel_loop3A_166 = arith.constant 0 : i32
        %parallel_loop3A_167 = tpu.memref_slice %arg9[%rem3A_64, %parallel_loop3A_165, %parallel_loop3A_166] : memref<2x128x128xf32, #tpu.memory_space<vmem>> -> memref<1x128x128xf32, #tpu.memory_space<vmem>>
        %parallel_loop3A_168 = tpu.memref_squeeze %parallel_loop3A_167 : memref<1x128x128xf32, #tpu.memory_space<vmem>> -> memref<128x128xf32, #tpu.memory_space<vmem>>
        tpu.vector_store_idx %parallel_loop3A_168[%parallel_loop3A_163, %parallel_loop3A_160], %parallel_loop3A_164 : memref<128x128xf32, #tpu.memory_space<vmem>>[vector<16xi32>, vector<16xi32>], vector<16xf32>,
        %parallel_loop3A_169 = tpu.vector_load_idx %arg8[%parallel_loop3A_148, %parallel_loop3A_160] : memref<120x128xf32, #tpu.memory_space<vmem>>[vector<16xi32>, vector<16xi32>], vector<16xf32>,
        %parallel_loop3A_170 = arith.constant 0 : i32
        %parallel_loop3A_171 = arith.constant 0 : i32
        %parallel_loop3A_172 = tpu.memref_slice %arg10[%rem3A_64, %parallel_loop3A_170, %parallel_loop3A_171] : memref<2x128x128xf32, #tpu.memory_space<vmem>> -> memref<1x128x128xf32, #tpu.memory_space<vmem>>
        %parallel_loop3A_173 = tpu.memref_squeeze %parallel_loop3A_172 : memref<1x128x128xf32, #tpu.memory_space<vmem>> -> memref<128x128xf32, #tpu.memory_space<vmem>>
        tpu.vector_store_idx %parallel_loop3A_173[%parallel_loop3A_163, %parallel_loop3A_160], %parallel_loop3A_169 : memref<128x128xf32, #tpu.memory_space<vmem>>[vector<16xi32>, vector<16xi32>], vector<16xf32>,
        %parallel_loop3A_174 = arith.constant 16 : i32
        %parallel_loop3A_175 = vector.broadcast %parallel_loop3A_174 : i32 to vector<16xi32>
        %parallel_loop3A_176 = arith.addi %iota3A, %parallel_loop3A_175 : vector<16xi32>
        %parallel_loop3A_177 = tpu.vector_load_idx %arg7[%parallel_loop3A_149, %parallel_loop3A_160] : memref<120x128xf32, #tpu.memory_space<vmem>>[vector<16xi32>, vector<16xi32>], vector<16xf32>,
        %parallel_loop3A_178 = arith.constant 0 : i32
        %parallel_loop3A_179 = arith.constant 0 : i32
        %parallel_loop3A_180 = tpu.memref_slice %arg9[%rem3A_64, %parallel_loop3A_178, %parallel_loop3A_179] : memref<2x128x128xf32, #tpu.memory_space<vmem>> -> memref<1x128x128xf32, #tpu.memory_space<vmem>>
        %parallel_loop3A_181 = tpu.memref_squeeze %parallel_loop3A_180 : memref<1x128x128xf32, #tpu.memory_space<vmem>> -> memref<128x128xf32, #tpu.memory_space<vmem>>
        tpu.vector_store_idx %parallel_loop3A_181[%parallel_loop3A_176, %parallel_loop3A_160], %parallel_loop3A_177 : memref<128x128xf32, #tpu.memory_space<vmem>>[vector<16xi32>, vector<16xi32>], vector<16xf32>,
        %parallel_loop3A_182 = tpu.vector_load_idx %arg8[%parallel_loop3A_149, %parallel_loop3A_160] : memref<120x128xf32, #tpu.memory_space<vmem>>[vector<16xi32>, vector<16xi32>], vector<16xf32>,
        %parallel_loop3A_183 = arith.constant 0 : i32
        %parallel_loop3A_184 = arith.constant 0 : i32
        %parallel_loop3A_185 = tpu.memref_slice %arg10[%rem3A_64, %parallel_loop3A_183, %parallel_loop3A_184] : memref<2x128x128xf32, #tpu.memory_space<vmem>> -> memref<1x128x128xf32, #tpu.memory_space<vmem>>
        %parallel_loop3A_186 = tpu.memref_squeeze %parallel_loop3A_185 : memref<1x128x128xf32, #tpu.memory_space<vmem>> -> memref<128x128xf32, #tpu.memory_space<vmem>>
        tpu.vector_store_idx %parallel_loop3A_186[%parallel_loop3A_176, %parallel_loop3A_160], %parallel_loop3A_182 : memref<128x128xf32, #tpu.memory_space<vmem>>[vector<16xi32>, vector<16xi32>], vector<16xf32>,
        %parallel_loop3A_187 = arith.constant 32 : i32
        %parallel_loop3A_188 = vector.broadcast %parallel_loop3A_187 : i32 to vector<16xi32>
        %parallel_loop3A_189 = arith.addi %iota3A, %parallel_loop3A_188 : vector<16xi32>
        %parallel_loop3A_190 = tpu.vector_load_idx %arg7[%parallel_loop3A_150, %parallel_loop3A_160] : memref<120x128xf32, #tpu.memory_space<vmem>>[vector<16xi32>, vector<16xi32>], vector<16xf32>,
        %parallel_loop3A_191 = arith.constant 0 : i32
        %parallel_loop3A_192 = arith.constant 0 : i32
        %parallel_loop3A_193 = tpu.memref_slice %arg9[%rem3A_64, %parallel_loop3A_191, %parallel_loop3A_192] : memref<2x128x128xf32, #tpu.memory_space<vmem>> -> memref<1x128x128xf32, #tpu.memory_space<vmem>>
        %parallel_loop3A_194 = tpu.memref_squeeze %parallel_loop3A_193 : memref<1x128x128xf32, #tpu.memory_space<vmem>> -> memref<128x128xf32, #tpu.memory_space<vmem>>
        tpu.vector_store_idx %parallel_loop3A_194[%parallel_loop3A_189, %parallel_loop3A_160], %parallel_loop3A_190 : memref<128x128xf32, #tpu.memory_space<vmem>>[vector<16xi32>, vector<16xi32>], vector<16xf32>,
        %parallel_loop3A_195 = tpu.vector_load_idx %arg8[%parallel_loop3A_150, %parallel_loop3A_160] : memref<120x128xf32, #tpu.memory_space<vmem>>[vector<16xi32>, vector<16xi32>], vector<16xf32>,
        %parallel_loop3A_196 = arith.constant 0 : i32
        %parallel_loop3A_197 = arith.constant 0 : i32
        %parallel_loop3A_198 = tpu.memref_slice %arg10[%rem3A_64, %parallel_loop3A_196, %parallel_loop3A_197] : memref<2x128x128xf32, #tpu.memory_space<vmem>> -> memref<1x128x128xf32, #tpu.memory_space<vmem>>
        %parallel_loop3A_199 = tpu.memref_squeeze %parallel_loop3A_198 : memref<1x128x128xf32, #tpu.memory_space<vmem>> -> memref<128x128xf32, #tpu.memory_space<vmem>>
        tpu.vector_store_idx %parallel_loop3A_199[%parallel_loop3A_189, %parallel_loop3A_160], %parallel_loop3A_195 : memref<128x128xf32, #tpu.memory_space<vmem>>[vector<16xi32>, vector<16xi32>], vector<16xf32>,
        %parallel_loop3A_200 = arith.constant 48 : i32
        %parallel_loop3A_201 = vector.broadcast %parallel_loop3A_200 : i32 to vector<16xi32>
        %parallel_loop3A_202 = arith.addi %iota3A, %parallel_loop3A_201 : vector<16xi32>
        %parallel_loop3A_203 = tpu.vector_load_idx %arg7[%parallel_loop3A_151, %parallel_loop3A_160] : memref<120x128xf32, #tpu.memory_space<vmem>>[vector<16xi32>, vector<16xi32>], vector<16xf32>,
        %parallel_loop3A_204 = arith.constant 0 : i32
        %parallel_loop3A_205 = arith.constant 0 : i32
        %parallel_loop3A_206 = tpu.memref_slice %arg9[%rem3A_64, %parallel_loop3A_204, %parallel_loop3A_205] : memref<2x128x128xf32, #tpu.memory_space<vmem>> -> memref<1x128x128xf32, #tpu.memory_space<vmem>>
        %parallel_loop3A_207 = tpu.memref_squeeze %parallel_loop3A_206 : memref<1x128x128xf32, #tpu.memory_space<vmem>> -> memref<128x128xf32, #tpu.memory_space<vmem>>
        tpu.vector_store_idx %parallel_loop3A_207[%parallel_loop3A_202, %parallel_loop3A_160], %parallel_loop3A_203 : memref<128x128xf32, #tpu.memory_space<vmem>>[vector<16xi32>, vector<16xi32>], vector<16xf32>,
        %parallel_loop3A_208 = tpu.vector_load_idx %arg8[%parallel_loop3A_151, %parallel_loop3A_160] : memref<120x128xf32, #tpu.memory_space<vmem>>[vector<16xi32>, vector<16xi32>], vector<16xf32>,
        %parallel_loop3A_209 = arith.constant 0 : i32
        %parallel_loop3A_210 = arith.constant 0 : i32
        %parallel_loop3A_211 = tpu.memref_slice %arg10[%rem3A_64, %parallel_loop3A_209, %parallel_loop3A_210] : memref<2x128x128xf32, #tpu.memory_space<vmem>> -> memref<1x128x128xf32, #tpu.memory_space<vmem>>
        %parallel_loop3A_212 = tpu.memref_squeeze %parallel_loop3A_211 : memref<1x128x128xf32, #tpu.memory_space<vmem>> -> memref<128x128xf32, #tpu.memory_space<vmem>>
        tpu.vector_store_idx %parallel_loop3A_212[%parallel_loop3A_202, %parallel_loop3A_160], %parallel_loop3A_208 : memref<128x128xf32, #tpu.memory_space<vmem>>[vector<16xi32>, vector<16xi32>], vector<16xf32>,
        %parallel_loop3A_213 = arith.constant 64 : i32
        %parallel_loop3A_214 = vector.broadcast %parallel_loop3A_213 : i32 to vector<16xi32>
        %parallel_loop3A_215 = arith.addi %iota3A, %parallel_loop3A_214 : vector<16xi32>
        %parallel_loop3A_216 = tpu.vector_load_idx %arg7[%parallel_loop3A_152, %parallel_loop3A_160] : memref<120x128xf32, #tpu.memory_space<vmem>>[vector<16xi32>, vector<16xi32>], vector<16xf32>,
        %parallel_loop3A_217 = arith.constant 0 : i32
        %parallel_loop3A_218 = arith.constant 0 : i32
        %parallel_loop3A_219 = tpu.memref_slice %arg9[%rem3A_64, %parallel_loop3A_217, %parallel_loop3A_218] : memref<2x128x128xf32, #tpu.memory_space<vmem>> -> memref<1x128x128xf32, #tpu.memory_space<vmem>>
        %parallel_loop3A_220 = tpu.memref_squeeze %parallel_loop3A_219 : memref<1x128x128xf32, #tpu.memory_space<vmem>> -> memref<128x128xf32, #tpu.memory_space<vmem>>
        tpu.vector_store_idx %parallel_loop3A_220[%parallel_loop3A_215, %parallel_loop3A_160], %parallel_loop3A_216 : memref<128x128xf32, #tpu.memory_space<vmem>>[vector<16xi32>, vector<16xi32>], vector<16xf32>,
        %parallel_loop3A_221 = tpu.vector_load_idx %arg8[%parallel_loop3A_152, %parallel_loop3A_160] : memref<120x128xf32, #tpu.memory_space<vmem>>[vector<16xi32>, vector<16xi32>], vector<16xf32>,
        %parallel_loop3A_222 = arith.constant 0 : i32
        %parallel_loop3A_223 = arith.constant 0 : i32
        %parallel_loop3A_224 = tpu.memref_slice %arg10[%rem3A_64, %parallel_loop3A_222, %parallel_loop3A_223] : memref<2x128x128xf32, #tpu.memory_space<vmem>> -> memref<1x128x128xf32, #tpu.memory_space<vmem>>
        %parallel_loop3A_225 = tpu.memref_squeeze %parallel_loop3A_224 : memref<1x128x128xf32, #tpu.memory_space<vmem>> -> memref<128x128xf32, #tpu.memory_space<vmem>>
        tpu.vector_store_idx %parallel_loop3A_225[%parallel_loop3A_215, %parallel_loop3A_160], %parallel_loop3A_221 : memref<128x128xf32, #tpu.memory_space<vmem>>[vector<16xi32>, vector<16xi32>], vector<16xf32>,
        %parallel_loop3A_226 = arith.constant 80 : i32
        %parallel_loop3A_227 = vector.broadcast %parallel_loop3A_226 : i32 to vector<16xi32>
        %parallel_loop3A_228 = arith.addi %iota3A, %parallel_loop3A_227 : vector<16xi32>
        %parallel_loop3A_229 = tpu.vector_load_idx %arg7[%parallel_loop3A_153, %parallel_loop3A_160] : memref<120x128xf32, #tpu.memory_space<vmem>>[vector<16xi32>, vector<16xi32>], vector<16xf32>,
        %parallel_loop3A_230 = arith.constant 0 : i32
        %parallel_loop3A_231 = arith.constant 0 : i32
        %parallel_loop3A_232 = tpu.memref_slice %arg9[%rem3A_64, %parallel_loop3A_230, %parallel_loop3A_231] : memref<2x128x128xf32, #tpu.memory_space<vmem>> -> memref<1x128x128xf32, #tpu.memory_space<vmem>>
        %parallel_loop3A_233 = tpu.memref_squeeze %parallel_loop3A_232 : memref<1x128x128xf32, #tpu.memory_space<vmem>> -> memref<128x128xf32, #tpu.memory_space<vmem>>
        tpu.vector_store_idx %parallel_loop3A_233[%parallel_loop3A_228, %parallel_loop3A_160], %parallel_loop3A_229 : memref<128x128xf32, #tpu.memory_space<vmem>>[vector<16xi32>, vector<16xi32>], vector<16xf32>,
        %parallel_loop3A_234 = tpu.vector_load_idx %arg8[%parallel_loop3A_153, %parallel_loop3A_160] : memref<120x128xf32, #tpu.memory_space<vmem>>[vector<16xi32>, vector<16xi32>], vector<16xf32>,
        %parallel_loop3A_235 = arith.constant 0 : i32
        %parallel_loop3A_236 = arith.constant 0 : i32
        %parallel_loop3A_237 = tpu.memref_slice %arg10[%rem3A_64, %parallel_loop3A_235, %parallel_loop3A_236] : memref<2x128x128xf32, #tpu.memory_space<vmem>> -> memref<1x128x128xf32, #tpu.memory_space<vmem>>
        %parallel_loop3A_238 = tpu.memref_squeeze %parallel_loop3A_237 : memref<1x128x128xf32, #tpu.memory_space<vmem>> -> memref<128x128xf32, #tpu.memory_space<vmem>>
        tpu.vector_store_idx %parallel_loop3A_238[%parallel_loop3A_228, %parallel_loop3A_160], %parallel_loop3A_234 : memref<128x128xf32, #tpu.memory_space<vmem>>[vector<16xi32>, vector<16xi32>], vector<16xf32>,
        %parallel_loop3A_239 = arith.constant 96 : i32
        %parallel_loop3A_240 = vector.broadcast %parallel_loop3A_239 : i32 to vector<16xi32>
        %parallel_loop3A_241 = arith.addi %iota3A, %parallel_loop3A_240 : vector<16xi32>
        %parallel_loop3A_242 = tpu.vector_load_idx %arg7[%parallel_loop3A_154, %parallel_loop3A_160] : memref<120x128xf32, #tpu.memory_space<vmem>>[vector<16xi32>, vector<16xi32>], vector<16xf32>,
        %parallel_loop3A_243 = arith.constant 0 : i32
        %parallel_loop3A_244 = arith.constant 0 : i32
        %parallel_loop3A_245 = tpu.memref_slice %arg9[%rem3A_64, %parallel_loop3A_243, %parallel_loop3A_244] : memref<2x128x128xf32, #tpu.memory_space<vmem>> -> memref<1x128x128xf32, #tpu.memory_space<vmem>>
        %parallel_loop3A_246 = tpu.memref_squeeze %parallel_loop3A_245 : memref<1x128x128xf32, #tpu.memory_space<vmem>> -> memref<128x128xf32, #tpu.memory_space<vmem>>
        tpu.vector_store_idx %parallel_loop3A_246[%parallel_loop3A_241, %parallel_loop3A_160], %parallel_loop3A_242 : memref<128x128xf32, #tpu.memory_space<vmem>>[vector<16xi32>, vector<16xi32>], vector<16xf32>,
        %parallel_loop3A_247 = tpu.vector_load_idx %arg8[%parallel_loop3A_154, %parallel_loop3A_160] : memref<120x128xf32, #tpu.memory_space<vmem>>[vector<16xi32>, vector<16xi32>], vector<16xf32>,
        %parallel_loop3A_248 = arith.constant 0 : i32
        %parallel_loop3A_249 = arith.constant 0 : i32
        %parallel_loop3A_250 = tpu.memref_slice %arg10[%rem3A_64, %parallel_loop3A_248, %parallel_loop3A_249] : memref<2x128x128xf32, #tpu.memory_space<vmem>> -> memref<1x128x128xf32, #tpu.memory_space<vmem>>
        %parallel_loop3A_251 = tpu.memref_squeeze %parallel_loop3A_250 : memref<1x128x128xf32, #tpu.memory_space<vmem>> -> memref<128x128xf32, #tpu.memory_space<vmem>>
        tpu.vector_store_idx %parallel_loop3A_251[%parallel_loop3A_241, %parallel_loop3A_160], %parallel_loop3A_247 : memref<128x128xf32, #tpu.memory_space<vmem>>[vector<16xi32>, vector<16xi32>], vector<16xf32>,
        %parallel_loop3A_252 = arith.constant 112 : i32
        %parallel_loop3A_253 = vector.broadcast %parallel_loop3A_252 : i32 to vector<16xi32>
        %parallel_loop3A_254 = arith.addi %iota3A, %parallel_loop3A_253 : vector<16xi32>
        %parallel_loop3A_255 = tpu.vector_load_idx %arg7[%parallel_loop3A_155, %parallel_loop3A_160] : memref<120x128xf32, #tpu.memory_space<vmem>>[vector<16xi32>, vector<16xi32>], vector<16xf32>,
        %parallel_loop3A_256 = arith.constant 0 : i32
        %parallel_loop3A_257 = arith.constant 0 : i32
        %parallel_loop3A_258 = tpu.memref_slice %arg9[%rem3A_64, %parallel_loop3A_256, %parallel_loop3A_257] : memref<2x128x128xf32, #tpu.memory_space<vmem>> -> memref<1x128x128xf32, #tpu.memory_space<vmem>>
        %parallel_loop3A_259 = tpu.memref_squeeze %parallel_loop3A_258 : memref<1x128x128xf32, #tpu.memory_space<vmem>> -> memref<128x128xf32, #tpu.memory_space<vmem>>
        tpu.vector_store_idx %parallel_loop3A_259[%parallel_loop3A_254, %parallel_loop3A_160], %parallel_loop3A_255 : memref<128x128xf32, #tpu.memory_space<vmem>>[vector<16xi32>, vector<16xi32>], vector<16xf32>,
        %parallel_loop3A_260 = tpu.vector_load_idx %arg8[%parallel_loop3A_155, %parallel_loop3A_160] : memref<120x128xf32, #tpu.memory_space<vmem>>[vector<16xi32>, vector<16xi32>], vector<16xf32>,
        %parallel_loop3A_261 = arith.constant 0 : i32
        %parallel_loop3A_262 = arith.constant 0 : i32
        %parallel_loop3A_263 = tpu.memref_slice %arg10[%rem3A_64, %parallel_loop3A_261, %parallel_loop3A_262] : memref<2x128x128xf32, #tpu.memory_space<vmem>> -> memref<1x128x128xf32, #tpu.memory_space<vmem>>
        %parallel_loop3A_264 = tpu.memref_squeeze %parallel_loop3A_263 : memref<1x128x128xf32, #tpu.memory_space<vmem>> -> memref<128x128xf32, #tpu.memory_space<vmem>>
        tpu.vector_store_idx %parallel_loop3A_264[%parallel_loop3A_254, %parallel_loop3A_160], %parallel_loop3A_260 : memref<128x128xf32, #tpu.memory_space<vmem>>[vector<16xi32>, vector<16xi32>], vector<16xf32>,
        scf.yield %parallel_loop3A_148, %parallel_loop3A_149, %parallel_loop3A_150, %parallel_loop3A_151, %parallel_loop3A_152, %parallel_loop3A_153, %parallel_loop3A_154, %parallel_loop3A_155 : vector<16xi32>, vector<16xi32>, vector<16xi32>, vector<16xi32>, vector<16xi32>, vector<16xi32>, vector<16xi32>, vector<16xi32>
      } {sc.loop_unroll_factor = 8 : i64, sc.parallel_access}
      %add3A_120 = arith.addi %select_n3A_12, %while3A_63 : i32
      %mul3A_121 = arith.constant 128 : i32
      %mul3A_122 = arith.muli %add3A_120, %mul3A_121 : i32
      %dma_start3A = arith.constant 0 : i32
      %dma_start3A_123 = arith.constant 0 : i32
      %dma_start3A_124 = tpu.memref_slice %arg9[%rem3A_64, %dma_start3A, %dma_start3A_123] : memref<2x128x128xf32, #tpu.memory_space<vmem>> -> memref<1x128x128xf32, #tpu.memory_space<vmem>>
      %dma_start3A_125 = tpu.memref_squeeze %dma_start3A_124 : memref<1x128x128xf32, #tpu.memory_space<vmem>> -> memref<128x128xf32, #tpu.memory_space<vmem>>
      %dma_start3A_126 = arith.constant 0 : i32
      %dma_start3A_127 = tpu.memref_slice %arg5[%mul3A_122, %dma_start3A_126] : memref<100000x200xf32, #tpu.memory_space<hbm>> -> memref<128x128xf32, #tpu.memory_space<hbm>>
      %dma_start3A_128 = arith.constant 0 : i32
      %dma_start3A_129 = tpu.memref_slice %arg5[%mul3A_122, %dma_start3A_128] : memref<100000x200xf32, #tpu.memory_space<hbm>> -> memref<128x128xf32, #tpu.memory_space<hbm>>
      %dma_start3A_130 = arith.constant 0 : i32
      %dma_start3A_131 = arith.constant 0 : i32
      %dma_start3A_132 = tpu.memref_slice %arg9[%rem3A_64, %dma_start3A_130, %dma_start3A_131] : memref<2x128x128xf32, #tpu.memory_space<vmem>> -> memref<1x128x128xf32, #tpu.memory_space<vmem>>
      %dma_start3A_133 = tpu.memref_squeeze %dma_start3A_132 : memref<1x128x128xf32, #tpu.memory_space<vmem>> -> memref<128x128xf32, #tpu.memory_space<vmem>>
      tpu.enqueue_dma source(%dma_start3A_133 : memref<128x128xf32, #tpu.memory_space<vmem>>) target(%dma_start3A_129 : memref<128x128xf32, #tpu.memory_space<hbm>>) target_semaphore(%arg12 : memref<!tpu.dma_semaphore, #tpu.memory_space<semaphore_mem>>)
      %add3A_134 = arith.addi %select_n3A_12, %while3A_63 : i32
      %mul3A_135 = arith.constant 128 : i32
      %mul3A_136 = arith.muli %add3A_134, %mul3A_135 : i32
      %dma_start3A_137 = arith.constant 0 : i32
      %dma_start3A_138 = arith.constant 0 : i32
      %dma_start3A_139 = tpu.memref_slice %arg10[%rem3A_64, %dma_start3A_137, %dma_start3A_138] : memref<2x128x128xf32, #tpu.memory_space<vmem>> -> memref<1x128x128xf32, #tpu.memory_space<vmem>>
      %dma_start3A_140 = tpu.memref_squeeze %dma_start3A_139 : memref<1x128x128xf32, #tpu.memory_space<vmem>> -> memref<128x128xf32, #tpu.memory_space<vmem>>
      %dma_start3A_141 = tpu.memref_slice %arg5[%mul3A_136, %add3A_16] : memref<100000x200xf32, #tpu.memory_space<hbm>> -> memref<128x128xf32, #tpu.memory_space<hbm>>
      %dma_start3A_142 = tpu.memref_slice %arg5[%mul3A_136, %add3A_16] : memref<100000x200xf32, #tpu.memory_space<hbm>> -> memref<128x128xf32, #tpu.memory_space<hbm>>
      %dma_start3A_143 = arith.constant 0 : i32
      %dma_start3A_144 = arith.constant 0 : i32
      %dma_start3A_145 = tpu.memref_slice %arg10[%rem3A_64, %dma_start3A_143, %dma_start3A_144] : memref<2x128x128xf32, #tpu.memory_space<vmem>> -> memref<1x128x128xf32, #tpu.memory_space<vmem>>
      %dma_start3A_146 = tpu.memref_squeeze %dma_start3A_145 : memref<1x128x128xf32, #tpu.memory_space<vmem>> -> memref<128x128xf32, #tpu.memory_space<vmem>>
      tpu.enqueue_dma source(%dma_start3A_146 : memref<128x128xf32, #tpu.memory_space<vmem>>) target(%dma_start3A_142 : memref<128x128xf32, #tpu.memory_space<hbm>>) target_semaphore(%arg12 : memref<!tpu.dma_semaphore, #tpu.memory_space<semaphore_mem>>)
    }
    %while3A_46 = arith.constant 1 : i32
    scf.for %while3A_63 = %while3A_44 to %while3A_40 step %while3A_46  : i32 {
      %rem3A = arith.constant 2 : i32
      %rem3A_64 = arith.remsi %while3A_63, %rem3A : i32
      %ge3A_65 = arith.constant 2 : i32
      %ge3A_66 = arith.cmpi sge, %while3A_63, %ge3A_65 : i32
      %convert_element_type3A_67 = arith.extui %ge3A_66 : i1 to i32
      %cond3A_68 = arith.constant 0 : i32
      %cond3A_69 = arith.cmpi ne, %convert_element_type3A_67, %cond3A_68 : i32
      scf.if %cond3A_69 {
        %dma_wait3A = arith.constant 0 : i32
        %dma_wait3A_147 = arith.constant 0 : i32
        %dma_wait3A_148 = arith.constant 0 : i32
        %dma_wait3A_149 = tpu.memref_slice %arg9[%dma_wait3A, %dma_wait3A_147, %dma_wait3A_148] : memref<2x128x128xf32, #tpu.memory_space<vmem>> -> memref<1x128x128xf32, #tpu.memory_space<vmem>>
        %dma_wait3A_150 = tpu.memref_squeeze %dma_wait3A_149 : memref<1x128x128xf32, #tpu.memory_space<vmem>> -> memref<128x128xf32, #tpu.memory_space<vmem>>
        %dma_wait3A_151 = arith.constant 0 : i32
        %dma_wait3A_152 = arith.constant 0 : i32
        %dma_wait3A_153 = tpu.memref_slice %arg5[%dma_wait3A_151, %dma_wait3A_152] : memref<100000x200xf32, #tpu.memory_space<hbm>> -> memref<128x128xf32, #tpu.memory_space<hbm>>
        %dma_wait3A_154 = arith.constant 0 : i32
        %dma_wait3A_155 = arith.constant 0 : i32
        %dma_wait3A_156 = tpu.memref_slice %arg5[%dma_wait3A_154, %dma_wait3A_155] : memref<100000x200xf32, #tpu.memory_space<hbm>> -> memref<128x128xf32, #tpu.memory_space<hbm>>
        %dma_wait3A_157 = arith.constant 0 : i32
        %dma_wait3A_158 = arith.constant 0 : i32
        %dma_wait3A_159 = tpu.memref_slice %arg9[%dma_wait3A, %dma_wait3A_157, %dma_wait3A_158] : memref<2x128x128xf32, #tpu.memory_space<vmem>> -> memref<1x128x128xf32, #tpu.memory_space<vmem>>
        %dma_wait3A_160 = tpu.memref_squeeze %dma_wait3A_159 : memref<1x128x128xf32, #tpu.memory_space<vmem>> -> memref<128x128xf32, #tpu.memory_space<vmem>>
        tpu.wait_dma2 semaphore(%arg12 : memref<!tpu.dma_semaphore, #tpu.memory_space<semaphore_mem>>) src(%dma_wait3A_160 : memref<128x128xf32, #tpu.memory_space<vmem>>) dst(%dma_wait3A_156 : memref<128x128xf32, #tpu.memory_space<hbm>>)
        %dma_wait3A_161 = arith.constant 0 : i32
        %dma_wait3A_162 = arith.constant 0 : i32
        %dma_wait3A_163 = arith.constant 0 : i32
        %dma_wait3A_164 = tpu.memref_slice %arg9[%dma_wait3A_161, %dma_wait3A_162, %dma_wait3A_163] : memref<2x128x128xf32, #tpu.memory_space<vmem>> -> memref<1x128x128xf32, #tpu.memory_space<vmem>>
        %dma_wait3A_165 = tpu.memref_squeeze %dma_wait3A_164 : memref<1x128x128xf32, #tpu.memory_space<vmem>> -> memref<128x128xf32, #tpu.memory_space<vmem>>
        %dma_wait3A_166 = arith.constant 0 : i32
        %dma_wait3A_167 = arith.constant 0 : i32
        %dma_wait3A_168 = tpu.memref_slice %arg5[%dma_wait3A_166, %dma_wait3A_167] : memref<100000x200xf32, #tpu.memory_space<hbm>> -> memref<128x128xf32, #tpu.memory_space<hbm>>
        %dma_wait3A_169 = arith.constant 0 : i32
        %dma_wait3A_170 = arith.constant 0 : i32
        %dma_wait3A_171 = tpu.memref_slice %arg5[%dma_wait3A_169, %dma_wait3A_170] : memref<100000x200xf32, #tpu.memory_space<hbm>> -> memref<128x128xf32, #tpu.memory_space<hbm>>
        %dma_wait3A_172 = arith.constant 0 : i32
        %dma_wait3A_173 = arith.constant 0 : i32
        %dma_wait3A_174 = tpu.memref_slice %arg9[%dma_wait3A_161, %dma_wait3A_172, %dma_wait3A_173] : memref<2x128x128xf32, #tpu.memory_space<vmem>> -> memref<1x128x128xf32, #tpu.memory_space<vmem>>
        %dma_wait3A_175 = tpu.memref_squeeze %dma_wait3A_174 : memref<1x128x128xf32, #tpu.memory_space<vmem>> -> memref<128x128xf32, #tpu.memory_space<vmem>>
        tpu.wait_dma2 semaphore(%arg12 : memref<!tpu.dma_semaphore, #tpu.memory_space<semaphore_mem>>) src(%dma_wait3A_175 : memref<128x128xf32, #tpu.memory_space<vmem>>) dst(%dma_wait3A_171 : memref<128x128xf32, #tpu.memory_space<hbm>>)
      } else {
      }
      %mul3A_70 = arith.constant 128 : i32
      %mul3A_71 = arith.muli %while3A_63, %mul3A_70 : i32
      %add3A_72 = arith.constant 0 : i32
      %add3A_73 = arith.addi %mul3A_71, %add3A_72 : i32
      %get3A = arith.index_cast %add3A_73 : i32 to index
      %get3A_74 = tpu.vector_load %arg6[%get3A] {strides = array<i32>} : memref<3200xi32, #tpu.memory_space<vmem>>, vector<16xi32>,
      %mul3A_75 = arith.constant 128 : i32
      %mul3A_76 = arith.muli %while3A_63, %mul3A_75 : i32
      %add3A_77 = arith.constant 16 : i32
      %add3A_78 = arith.addi %mul3A_76, %add3A_77 : i32
      %get3A_79 = arith.index_cast %add3A_78 : i32 to index
      %get3A_80 = tpu.vector_load %arg6[%get3A_79] {strides = array<i32>} : memref<3200xi32, #tpu.memory_space<vmem>>, vector<16xi32>,
      %mul3A_81 = arith.constant 128 : i32
      %mul3A_82 = arith.muli %while3A_63, %mul3A_81 : i32
      %add3A_83 = arith.constant 32 : i32
      %add3A_84 = arith.addi %mul3A_82, %add3A_83 : i32
      %get3A_85 = arith.index_cast %add3A_84 : i32 to index
      %get3A_86 = tpu.vector_load %arg6[%get3A_85] {strides = array<i32>} : memref<3200xi32, #tpu.memory_space<vmem>>, vector<16xi32>,
      %mul3A_87 = arith.constant 128 : i32
      %mul3A_88 = arith.muli %while3A_63, %mul3A_87 : i32
      %add3A_89 = arith.constant 48 : i32
      %add3A_90 = arith.addi %mul3A_88, %add3A_89 : i32
      %get3A_91 = arith.index_cast %add3A_90 : i32 to index
      %get3A_92 = tpu.vector_load %arg6[%get3A_91] {strides = array<i32>} : memref<3200xi32, #tpu.memory_space<vmem>>, vector<16xi32>,
      %mul3A_93 = arith.constant 128 : i32
      %mul3A_94 = arith.muli %while3A_63, %mul3A_93 : i32
      %add3A_95 = arith.constant 64 : i32
      %add3A_96 = arith.addi %mul3A_94, %add3A_95 : i32
      %get3A_97 = arith.index_cast %add3A_96 : i32 to index
      %get3A_98 = tpu.vector_load %arg6[%get3A_97] {strides = array<i32>} : memref<3200xi32, #tpu.memory_space<vmem>>, vector<16xi32>,
      %mul3A_99 = arith.constant 128 : i32
      %mul3A_100 = arith.muli %while3A_63, %mul3A_99 : i32
      %add3A_101 = arith.constant 80 : i32
      %add3A_102 = arith.addi %mul3A_100, %add3A_101 : i32
      %get3A_103 = arith.index_cast %add3A_102 : i32 to index
      %get3A_104 = tpu.vector_load %arg6[%get3A_103] {strides = array<i32>} : memref<3200xi32, #tpu.memory_space<vmem>>, vector<16xi32>,
      %mul3A_105 = arith.constant 128 : i32
      %mul3A_106 = arith.muli %while3A_63, %mul3A_105 : i32
      %add3A_107 = arith.constant 96 : i32
      %add3A_108 = arith.addi %mul3A_106, %add3A_107 : i32
      %get3A_109 = arith.index_cast %add3A_108 : i32 to index
      %get3A_110 = tpu.vector_load %arg6[%get3A_109] {strides = array<i32>} : memref<3200xi32, #tpu.memory_space<vmem>>, vector<16xi32>,
      %mul3A_111 = arith.constant 128 : i32
      %mul3A_112 = arith.muli %while3A_63, %mul3A_111 : i32
      %add3A_113 = arith.constant 112 : i32
      %add3A_114 = arith.addi %mul3A_112, %add3A_113 : i32
      %get3A_115 = arith.index_cast %add3A_114 : i32 to index
      %get3A_116 = tpu.vector_load %arg6[%get3A_115] {strides = array<i32>} : memref<3200xi32, #tpu.memory_space<vmem>>, vector<16xi32>,
      %parallel_loop3A = arith.constant 0 : i32
      %parallel_loop3A_117 = arith.constant 128 : i32
      %parallel_loop3A_118 = arith.constant 1 : i32
      %parallel_loop3A_119:8 = scf.for %parallel_loop3A_147 = %parallel_loop3A to %parallel_loop3A_117 step %parallel_loop3A_118 iter_args(%parallel_loop3A_148 = %get3A_74, %parallel_loop3A_149 = %get3A_80, %parallel_loop3A_150 = %get3A_86, %parallel_loop3A_151 = %get3A_92, %parallel_loop3A_152 = %get3A_98, %parallel_loop3A_153 = %get3A_104, %parallel_loop3A_154 = %get3A_110, %parallel_loop3A_155 = %get3A_116) -> (vector<16xi32>, vector<16xi32>, vector<16xi32>, vector<16xi32>, vector<16xi32>, vector<16xi32>, vector<16xi32>, vector<16xi32>)  : i32 {
        %parallel_loop3A_156 = vector.broadcast %parallel_loop3A_147 : i32 to vector<16xi32>
        %parallel_loop3A_157 = arith.addi %parallel_loop3A_156, %iota3A : vector<16xi32>
        %parallel_loop3A_158 = arith.constant 127 : i32
        %parallel_loop3A_159 = vector.broadcast %parallel_loop3A_158 : i32 to vector<16xi32>
        %parallel_loop3A_160 = arith.andi %parallel_loop3A_157, %parallel_loop3A_159 : vector<16xi32>
        %parallel_loop3A_161 = arith.constant 0 : i32
        %parallel_loop3A_162 = vector.broadcast %parallel_loop3A_161 : i32 to vector<16xi32>
        %parallel_loop3A_163 = arith.addi %iota3A, %parallel_loop3A_162 : vector<16xi32>
        %parallel_loop3A_164 = tpu.vector_load_idx %arg7[%parallel_loop3A_148, %parallel_loop3A_160] : memref<120x128xf32, #tpu.memory_space<vmem>>[vector<16xi32>, vector<16xi32>], vector<16xf32>,
        %parallel_loop3A_165 = arith.constant 0 : i32
        %parallel_loop3A_166 = arith.constant 0 : i32
        %parallel_loop3A_167 = tpu.memref_slice %arg9[%rem3A_64, %parallel_loop3A_165, %parallel_loop3A_166] : memref<2x128x128xf32, #tpu.memory_space<vmem>> -> memref<1x128x128xf32, #tpu.memory_space<vmem>>
        %parallel_loop3A_168 = tpu.memref_squeeze %parallel_loop3A_167 : memref<1x128x128xf32, #tpu.memory_space<vmem>> -> memref<128x128xf32, #tpu.memory_space<vmem>>
        tpu.vector_store_idx %parallel_loop3A_168[%parallel_loop3A_163, %parallel_loop3A_160], %parallel_loop3A_164 : memref<128x128xf32, #tpu.memory_space<vmem>>[vector<16xi32>, vector<16xi32>], vector<16xf32>,
        %parallel_loop3A_169 = tpu.vector_load_idx %arg8[%parallel_loop3A_148, %parallel_loop3A_160] : memref<120x128xf32, #tpu.memory_space<vmem>>[vector<16xi32>, vector<16xi32>], vector<16xf32>,
        %parallel_loop3A_170 = arith.constant 0 : i32
        %parallel_loop3A_171 = arith.constant 0 : i32
        %parallel_loop3A_172 = tpu.memref_slice %arg10[%rem3A_64, %parallel_loop3A_170, %parallel_loop3A_171] : memref<2x128x128xf32, #tpu.memory_space<vmem>> -> memref<1x128x128xf32, #tpu.memory_space<vmem>>
        %parallel_loop3A_173 = tpu.memref_squeeze %parallel_loop3A_172 : memref<1x128x128xf32, #tpu.memory_space<vmem>> -> memref<128x128xf32, #tpu.memory_space<vmem>>
        tpu.vector_store_idx %parallel_loop3A_173[%parallel_loop3A_163, %parallel_loop3A_160], %parallel_loop3A_169 : memref<128x128xf32, #tpu.memory_space<vmem>>[vector<16xi32>, vector<16xi32>], vector<16xf32>,
        %parallel_loop3A_174 = arith.constant 16 : i32
        %parallel_loop3A_175 = vector.broadcast %parallel_loop3A_174 : i32 to vector<16xi32>
        %parallel_loop3A_176 = arith.addi %iota3A, %parallel_loop3A_175 : vector<16xi32>
        %parallel_loop3A_177 = tpu.vector_load_idx %arg7[%parallel_loop3A_149, %parallel_loop3A_160] : memref<120x128xf32, #tpu.memory_space<vmem>>[vector<16xi32>, vector<16xi32>], vector<16xf32>,
        %parallel_loop3A_178 = arith.constant 0 : i32
        %parallel_loop3A_179 = arith.constant 0 : i32
        %parallel_loop3A_180 = tpu.memref_slice %arg9[%rem3A_64, %parallel_loop3A_178, %parallel_loop3A_179] : memref<2x128x128xf32, #tpu.memory_space<vmem>> -> memref<1x128x128xf32, #tpu.memory_space<vmem>>
        %parallel_loop3A_181 = tpu.memref_squeeze %parallel_loop3A_180 : memref<1x128x128xf32, #tpu.memory_space<vmem>> -> memref<128x128xf32, #tpu.memory_space<vmem>>
        tpu.vector_store_idx %parallel_loop3A_181[%parallel_loop3A_176, %parallel_loop3A_160], %parallel_loop3A_177 : memref<128x128xf32, #tpu.memory_space<vmem>>[vector<16xi32>, vector<16xi32>], vector<16xf32>,
        %parallel_loop3A_182 = tpu.vector_load_idx %arg8[%parallel_loop3A_149, %parallel_loop3A_160] : memref<120x128xf32, #tpu.memory_space<vmem>>[vector<16xi32>, vector<16xi32>], vector<16xf32>,
        %parallel_loop3A_183 = arith.constant 0 : i32
        %parallel_loop3A_184 = arith.constant 0 : i32
        %parallel_loop3A_185 = tpu.memref_slice %arg10[%rem3A_64, %parallel_loop3A_183, %parallel_loop3A_184] : memref<2x128x128xf32, #tpu.memory_space<vmem>> -> memref<1x128x128xf32, #tpu.memory_space<vmem>>
        %parallel_loop3A_186 = tpu.memref_squeeze %parallel_loop3A_185 : memref<1x128x128xf32, #tpu.memory_space<vmem>> -> memref<128x128xf32, #tpu.memory_space<vmem>>
        tpu.vector_store_idx %parallel_loop3A_186[%parallel_loop3A_176, %parallel_loop3A_160], %parallel_loop3A_182 : memref<128x128xf32, #tpu.memory_space<vmem>>[vector<16xi32>, vector<16xi32>], vector<16xf32>,
        %parallel_loop3A_187 = arith.constant 32 : i32
        %parallel_loop3A_188 = vector.broadcast %parallel_loop3A_187 : i32 to vector<16xi32>
        %parallel_loop3A_189 = arith.addi %iota3A, %parallel_loop3A_188 : vector<16xi32>
        %parallel_loop3A_190 = tpu.vector_load_idx %arg7[%parallel_loop3A_150, %parallel_loop3A_160] : memref<120x128xf32, #tpu.memory_space<vmem>>[vector<16xi32>, vector<16xi32>], vector<16xf32>,
        %parallel_loop3A_191 = arith.constant 0 : i32
        %parallel_loop3A_192 = arith.constant 0 : i32
        %parallel_loop3A_193 = tpu.memref_slice %arg9[%rem3A_64, %parallel_loop3A_191, %parallel_loop3A_192] : memref<2x128x128xf32, #tpu.memory_space<vmem>> -> memref<1x128x128xf32, #tpu.memory_space<vmem>>
        %parallel_loop3A_194 = tpu.memref_squeeze %parallel_loop3A_193 : memref<1x128x128xf32, #tpu.memory_space<vmem>> -> memref<128x128xf32, #tpu.memory_space<vmem>>
        tpu.vector_store_idx %parallel_loop3A_194[%parallel_loop3A_189, %parallel_loop3A_160], %parallel_loop3A_190 : memref<128x128xf32, #tpu.memory_space<vmem>>[vector<16xi32>, vector<16xi32>], vector<16xf32>,
        %parallel_loop3A_195 = tpu.vector_load_idx %arg8[%parallel_loop3A_150, %parallel_loop3A_160] : memref<120x128xf32, #tpu.memory_space<vmem>>[vector<16xi32>, vector<16xi32>], vector<16xf32>,
        %parallel_loop3A_196 = arith.constant 0 : i32
        %parallel_loop3A_197 = arith.constant 0 : i32
        %parallel_loop3A_198 = tpu.memref_slice %arg10[%rem3A_64, %parallel_loop3A_196, %parallel_loop3A_197] : memref<2x128x128xf32, #tpu.memory_space<vmem>> -> memref<1x128x128xf32, #tpu.memory_space<vmem>>
        %parallel_loop3A_199 = tpu.memref_squeeze %parallel_loop3A_198 : memref<1x128x128xf32, #tpu.memory_space<vmem>> -> memref<128x128xf32, #tpu.memory_space<vmem>>
        tpu.vector_store_idx %parallel_loop3A_199[%parallel_loop3A_189, %parallel_loop3A_160], %parallel_loop3A_195 : memref<128x128xf32, #tpu.memory_space<vmem>>[vector<16xi32>, vector<16xi32>], vector<16xf32>,
        %parallel_loop3A_200 = arith.constant 48 : i32
        %parallel_loop3A_201 = vector.broadcast %parallel_loop3A_200 : i32 to vector<16xi32>
        %parallel_loop3A_202 = arith.addi %iota3A, %parallel_loop3A_201 : vector<16xi32>
        %parallel_loop3A_203 = tpu.vector_load_idx %arg7[%parallel_loop3A_151, %parallel_loop3A_160] : memref<120x128xf32, #tpu.memory_space<vmem>>[vector<16xi32>, vector<16xi32>], vector<16xf32>,
        %parallel_loop3A_204 = arith.constant 0 : i32
        %parallel_loop3A_205 = arith.constant 0 : i32
        %parallel_loop3A_206 = tpu.memref_slice %arg9[%rem3A_64, %parallel_loop3A_204, %parallel_loop3A_205] : memref<2x128x128xf32, #tpu.memory_space<vmem>> -> memref<1x128x128xf32, #tpu.memory_space<vmem>>
        %parallel_loop3A_207 = tpu.memref_squeeze %parallel_loop3A_206 : memref<1x128x128xf32, #tpu.memory_space<vmem>> -> memref<128x128xf32, #tpu.memory_space<vmem>>
        tpu.vector_store_idx %parallel_loop3A_207[%parallel_loop3A_202, %parallel_loop3A_160], %parallel_loop3A_203 : memref<128x128xf32, #tpu.memory_space<vmem>>[vector<16xi32>, vector<16xi32>], vector<16xf32>,
        %parallel_loop3A_208 = tpu.vector_load_idx %arg8[%parallel_loop3A_151, %parallel_loop3A_160] : memref<120x128xf32, #tpu.memory_space<vmem>>[vector<16xi32>, vector<16xi32>], vector<16xf32>,
        %parallel_loop3A_209 = arith.constant 0 : i32
        %parallel_loop3A_210 = arith.constant 0 : i32
        %parallel_loop3A_211 = tpu.memref_slice %arg10[%rem3A_64, %parallel_loop3A_209, %parallel_loop3A_210] : memref<2x128x128xf32, #tpu.memory_space<vmem>> -> memref<1x128x128xf32, #tpu.memory_space<vmem>>
        %parallel_loop3A_212 = tpu.memref_squeeze %parallel_loop3A_211 : memref<1x128x128xf32, #tpu.memory_space<vmem>> -> memref<128x128xf32, #tpu.memory_space<vmem>>
        tpu.vector_store_idx %parallel_loop3A_212[%parallel_loop3A_202, %parallel_loop3A_160], %parallel_loop3A_208 : memref<128x128xf32, #tpu.memory_space<vmem>>[vector<16xi32>, vector<16xi32>], vector<16xf32>,
        %parallel_loop3A_213 = arith.constant 64 : i32
        %parallel_loop3A_214 = vector.broadcast %parallel_loop3A_213 : i32 to vector<16xi32>
        %parallel_loop3A_215 = arith.addi %iota3A, %parallel_loop3A_214 : vector<16xi32>
        %parallel_loop3A_216 = tpu.vector_load_idx %arg7[%parallel_loop3A_152, %parallel_loop3A_160] : memref<120x128xf32, #tpu.memory_space<vmem>>[vector<16xi32>, vector<16xi32>], vector<16xf32>,
        %parallel_loop3A_217 = arith.constant 0 : i32
        %parallel_loop3A_218 = arith.constant 0 : i32
        %parallel_loop3A_219 = tpu.memref_slice %arg9[%rem3A_64, %parallel_loop3A_217, %parallel_loop3A_218] : memref<2x128x128xf32, #tpu.memory_space<vmem>> -> memref<1x128x128xf32, #tpu.memory_space<vmem>>
        %parallel_loop3A_220 = tpu.memref_squeeze %parallel_loop3A_219 : memref<1x128x128xf32, #tpu.memory_space<vmem>> -> memref<128x128xf32, #tpu.memory_space<vmem>>
        tpu.vector_store_idx %parallel_loop3A_220[%parallel_loop3A_215, %parallel_loop3A_160], %parallel_loop3A_216 : memref<128x128xf32, #tpu.memory_space<vmem>>[vector<16xi32>, vector<16xi32>], vector<16xf32>,
        %parallel_loop3A_221 = tpu.vector_load_idx %arg8[%parallel_loop3A_152, %parallel_loop3A_160] : memref<120x128xf32, #tpu.memory_space<vmem>>[vector<16xi32>, vector<16xi32>], vector<16xf32>,
        %parallel_loop3A_222 = arith.constant 0 : i32
        %parallel_loop3A_223 = arith.constant 0 : i32
        %parallel_loop3A_224 = tpu.memref_slice %arg10[%rem3A_64, %parallel_loop3A_222, %parallel_loop3A_223] : memref<2x128x128xf32, #tpu.memory_space<vmem>> -> memref<1x128x128xf32, #tpu.memory_space<vmem>>
        %parallel_loop3A_225 = tpu.memref_squeeze %parallel_loop3A_224 : memref<1x128x128xf32, #tpu.memory_space<vmem>> -> memref<128x128xf32, #tpu.memory_space<vmem>>
        tpu.vector_store_idx %parallel_loop3A_225[%parallel_loop3A_215, %parallel_loop3A_160], %parallel_loop3A_221 : memref<128x128xf32, #tpu.memory_space<vmem>>[vector<16xi32>, vector<16xi32>], vector<16xf32>,
        %parallel_loop3A_226 = arith.constant 80 : i32
        %parallel_loop3A_227 = vector.broadcast %parallel_loop3A_226 : i32 to vector<16xi32>
        %parallel_loop3A_228 = arith.addi %iota3A, %parallel_loop3A_227 : vector<16xi32>
        %parallel_loop3A_229 = tpu.vector_load_idx %arg7[%parallel_loop3A_153, %parallel_loop3A_160] : memref<120x128xf32, #tpu.memory_space<vmem>>[vector<16xi32>, vector<16xi32>], vector<16xf32>,
        %parallel_loop3A_230 = arith.constant 0 : i32
        %parallel_loop3A_231 = arith.constant 0 : i32
        %parallel_loop3A_232 = tpu.memref_slice %arg9[%rem3A_64, %parallel_loop3A_230, %parallel_loop3A_231] : memref<2x128x128xf32, #tpu.memory_space<vmem>> -> memref<1x128x128xf32, #tpu.memory_space<vmem>>
        %parallel_loop3A_233 = tpu.memref_squeeze %parallel_loop3A_232 : memref<1x128x128xf32, #tpu.memory_space<vmem>> -> memref<128x128xf32, #tpu.memory_space<vmem>>
        tpu.vector_store_idx %parallel_loop3A_233[%parallel_loop3A_228, %parallel_loop3A_160], %parallel_loop3A_229 : memref<128x128xf32, #tpu.memory_space<vmem>>[vector<16xi32>, vector<16xi32>], vector<16xf32>,
        %parallel_loop3A_234 = tpu.vector_load_idx %arg8[%parallel_loop3A_153, %parallel_loop3A_160] : memref<120x128xf32, #tpu.memory_space<vmem>>[vector<16xi32>, vector<16xi32>], vector<16xf32>,
        %parallel_loop3A_235 = arith.constant 0 : i32
        %parallel_loop3A_236 = arith.constant 0 : i32
        %parallel_loop3A_237 = tpu.memref_slice %arg10[%rem3A_64, %parallel_loop3A_235, %parallel_loop3A_236] : memref<2x128x128xf32, #tpu.memory_space<vmem>> -> memref<1x128x128xf32, #tpu.memory_space<vmem>>
        %parallel_loop3A_238 = tpu.memref_squeeze %parallel_loop3A_237 : memref<1x128x128xf32, #tpu.memory_space<vmem>> -> memref<128x128xf32, #tpu.memory_space<vmem>>
        tpu.vector_store_idx %parallel_loop3A_238[%parallel_loop3A_228, %parallel_loop3A_160], %parallel_loop3A_234 : memref<128x128xf32, #tpu.memory_space<vmem>>[vector<16xi32>, vector<16xi32>], vector<16xf32>,
        %parallel_loop3A_239 = arith.constant 96 : i32
        %parallel_loop3A_240 = vector.broadcast %parallel_loop3A_239 : i32 to vector<16xi32>
        %parallel_loop3A_241 = arith.addi %iota3A, %parallel_loop3A_240 : vector<16xi32>
        %parallel_loop3A_242 = tpu.vector_load_idx %arg7[%parallel_loop3A_154, %parallel_loop3A_160] : memref<120x128xf32, #tpu.memory_space<vmem>>[vector<16xi32>, vector<16xi32>], vector<16xf32>,
        %parallel_loop3A_243 = arith.constant 0 : i32
        %parallel_loop3A_244 = arith.constant 0 : i32
        %parallel_loop3A_245 = tpu.memref_slice %arg9[%rem3A_64, %parallel_loop3A_243, %parallel_loop3A_244] : memref<2x128x128xf32, #tpu.memory_space<vmem>> -> memref<1x128x128xf32, #tpu.memory_space<vmem>>
        %parallel_loop3A_246 = tpu.memref_squeeze %parallel_loop3A_245 : memref<1x128x128xf32, #tpu.memory_space<vmem>> -> memref<128x128xf32, #tpu.memory_space<vmem>>
        tpu.vector_store_idx %parallel_loop3A_246[%parallel_loop3A_241, %parallel_loop3A_160], %parallel_loop3A_242 : memref<128x128xf32, #tpu.memory_space<vmem>>[vector<16xi32>, vector<16xi32>], vector<16xf32>,
        %parallel_loop3A_247 = tpu.vector_load_idx %arg8[%parallel_loop3A_154, %parallel_loop3A_160] : memref<120x128xf32, #tpu.memory_space<vmem>>[vector<16xi32>, vector<16xi32>], vector<16xf32>,
        %parallel_loop3A_248 = arith.constant 0 : i32
        %parallel_loop3A_249 = arith.constant 0 : i32
        %parallel_loop3A_250 = tpu.memref_slice %arg10[%rem3A_64, %parallel_loop3A_248, %parallel_loop3A_249] : memref<2x128x128xf32, #tpu.memory_space<vmem>> -> memref<1x128x128xf32, #tpu.memory_space<vmem>>
        %parallel_loop3A_251 = tpu.memref_squeeze %parallel_loop3A_250 : memref<1x128x128xf32, #tpu.memory_space<vmem>> -> memref<128x128xf32, #tpu.memory_space<vmem>>
        tpu.vector_store_idx %parallel_loop3A_251[%parallel_loop3A_241, %parallel_loop3A_160], %parallel_loop3A_247 : memref<128x128xf32, #tpu.memory_space<vmem>>[vector<16xi32>, vector<16xi32>], vector<16xf32>,
        %parallel_loop3A_252 = arith.constant 112 : i32
        %parallel_loop3A_253 = vector.broadcast %parallel_loop3A_252 : i32 to vector<16xi32>
        %parallel_loop3A_254 = arith.addi %iota3A, %parallel_loop3A_253 : vector<16xi32>
        %parallel_loop3A_255 = tpu.vector_load_idx %arg7[%parallel_loop3A_155, %parallel_loop3A_160] : memref<120x128xf32, #tpu.memory_space<vmem>>[vector<16xi32>, vector<16xi32>], vector<16xf32>,
        %parallel_loop3A_256 = arith.constant 0 : i32
        %parallel_loop3A_257 = arith.constant 0 : i32
        %parallel_loop3A_258 = tpu.memref_slice %arg9[%rem3A_64, %parallel_loop3A_256, %parallel_loop3A_257] : memref<2x128x128xf32, #tpu.memory_space<vmem>> -> memref<1x128x128xf32, #tpu.memory_space<vmem>>
        %parallel_loop3A_259 = tpu.memref_squeeze %parallel_loop3A_258 : memref<1x128x128xf32, #tpu.memory_space<vmem>> -> memref<128x128xf32, #tpu.memory_space<vmem>>
        tpu.vector_store_idx %parallel_loop3A_259[%parallel_loop3A_254, %parallel_loop3A_160], %parallel_loop3A_255 : memref<128x128xf32, #tpu.memory_space<vmem>>[vector<16xi32>, vector<16xi32>], vector<16xf32>,
        %parallel_loop3A_260 = tpu.vector_load_idx %arg8[%parallel_loop3A_155, %parallel_loop3A_160] : memref<120x128xf32, #tpu.memory_space<vmem>>[vector<16xi32>, vector<16xi32>], vector<16xf32>,
        %parallel_loop3A_261 = arith.constant 0 : i32
        %parallel_loop3A_262 = arith.constant 0 : i32
        %parallel_loop3A_263 = tpu.memref_slice %arg10[%rem3A_64, %parallel_loop3A_261, %parallel_loop3A_262] : memref<2x128x128xf32, #tpu.memory_space<vmem>> -> memref<1x128x128xf32, #tpu.memory_space<vmem>>
        %parallel_loop3A_264 = tpu.memref_squeeze %parallel_loop3A_263 : memref<1x128x128xf32, #tpu.memory_space<vmem>> -> memref<128x128xf32, #tpu.memory_space<vmem>>
        tpu.vector_store_idx %parallel_loop3A_264[%parallel_loop3A_254, %parallel_loop3A_160], %parallel_loop3A_260 : memref<128x128xf32, #tpu.memory_space<vmem>>[vector<16xi32>, vector<16xi32>], vector<16xf32>,
        scf.yield %parallel_loop3A_148, %parallel_loop3A_149, %parallel_loop3A_150, %parallel_loop3A_151, %parallel_loop3A_152, %parallel_loop3A_153, %parallel_loop3A_154, %parallel_loop3A_155 : vector<16xi32>, vector<16xi32>, vector<16xi32>, vector<16xi32>, vector<16xi32>, vector<16xi32>, vector<16xi32>, vector<16xi32>
      } {sc.loop_unroll_factor = 8 : i64, sc.parallel_access}
      %add3A_120 = arith.addi %select_n3A_12, %while3A_63 : i32
      %mul3A_121 = arith.constant 128 : i32
      %mul3A_122 = arith.muli %add3A_120, %mul3A_121 : i32
      %dma_start3A = arith.constant 0 : i32
      %dma_start3A_123 = arith.constant 0 : i32
      %dma_start3A_124 = tpu.memref_slice %arg9[%rem3A_64, %dma_start3A, %dma_start3A_123] : memref<2x128x128xf32, #tpu.memory_space<vmem>> -> memref<1x128x128xf32, #tpu.memory_space<vmem>>
      %dma_start3A_125 = tpu.memref_squeeze %dma_start3A_124 : memref<1x128x128xf32, #tpu.memory_space<vmem>> -> memref<128x128xf32, #tpu.memory_space<vmem>>
      %dma_start3A_126 = arith.constant 0 : i32
      %dma_start3A_127 = tpu.memref_slice %arg5[%mul3A_122, %dma_start3A_126] : memref<100000x200xf32, #tpu.memory_space<hbm>> -> memref<128x128xf32, #tpu.memory_space<hbm>>
      %dma_start3A_128 = arith.constant 0 : i32
      %dma_start3A_129 = tpu.memref_slice %arg5[%mul3A_122, %dma_start3A_128] : memref<100000x200xf32, #tpu.memory_space<hbm>> -> memref<128x128xf32, #tpu.memory_space<hbm>>
      %dma_start3A_130 = arith.constant 0 : i32
      %dma_start3A_131 = arith.constant 0 : i32
      %dma_start3A_132 = tpu.memref_slice %arg9[%rem3A_64, %dma_start3A_130, %dma_start3A_131] : memref<2x128x128xf32, #tpu.memory_space<vmem>> -> memref<1x128x128xf32, #tpu.memory_space<vmem>>
      %dma_start3A_133 = tpu.memref_squeeze %dma_start3A_132 : memref<1x128x128xf32, #tpu.memory_space<vmem>> -> memref<128x128xf32, #tpu.memory_space<vmem>>
      tpu.enqueue_dma source(%dma_start3A_133 : memref<128x128xf32, #tpu.memory_space<vmem>>) target(%dma_start3A_129 : memref<128x128xf32, #tpu.memory_space<hbm>>) target_semaphore(%arg12 : memref<!tpu.dma_semaphore, #tpu.memory_space<semaphore_mem>>)
      %add3A_134 = arith.addi %select_n3A_12, %while3A_63 : i32
      %mul3A_135 = arith.constant 128 : i32
      %mul3A_136 = arith.muli %add3A_134, %mul3A_135 : i32
      %dma_start3A_137 = arith.constant 0 : i32
      %dma_start3A_138 = arith.constant 0 : i32
      %dma_start3A_139 = tpu.memref_slice %arg10[%rem3A_64, %dma_start3A_137, %dma_start3A_138] : memref<2x128x128xf32, #tpu.memory_space<vmem>> -> memref<1x128x128xf32, #tpu.memory_space<vmem>>
      %dma_start3A_140 = tpu.memref_squeeze %dma_start3A_139 : memref<1x128x128xf32, #tpu.memory_space<vmem>> -> memref<128x128xf32, #tpu.memory_space<vmem>>
      %dma_start3A_141 = tpu.memref_slice %arg5[%mul3A_136, %add3A_16] : memref<100000x200xf32, #tpu.memory_space<hbm>> -> memref<128x128xf32, #tpu.memory_space<hbm>>
      %dma_start3A_142 = tpu.memref_slice %arg5[%mul3A_136, %add3A_16] : memref<100000x200xf32, #tpu.memory_space<hbm>> -> memref<128x128xf32, #tpu.memory_space<hbm>>
      %dma_start3A_143 = arith.constant 0 : i32
      %dma_start3A_144 = arith.constant 0 : i32
      %dma_start3A_145 = tpu.memref_slice %arg10[%rem3A_64, %dma_start3A_143, %dma_start3A_144] : memref<2x128x128xf32, #tpu.memory_space<vmem>> -> memref<1x128x128xf32, #tpu.memory_space<vmem>>
      %dma_start3A_146 = tpu.memref_squeeze %dma_start3A_145 : memref<1x128x128xf32, #tpu.memory_space<vmem>> -> memref<128x128xf32, #tpu.memory_space<vmem>>
      tpu.enqueue_dma source(%dma_start3A_146 : memref<128x128xf32, #tpu.memory_space<vmem>>) target(%dma_start3A_142 : memref<128x128xf32, #tpu.memory_space<hbm>>) target_semaphore(%arg12 : memref<!tpu.dma_semaphore, #tpu.memory_space<semaphore_mem>>)
    }
    %min3A = arith.constant 2 : i32
    %min3A_47 = arith.minsi %select_n3A, %min3A : i32
    %while3A_48 = arith.constant 0 : i32
    %while3A_49 = arith.constant 0 : i32
    %while3A_50 = arith.subi %min3A_47, %while3A_49 : i32
    %while3A_51 = arith.addi %while3A_49, %while3A_50 : i32
    %while3A_52 = arith.constant 1 : i32
    %while3A_53 = arith.divsi %while3A_50, %while3A_52 : i32
    %while3A_54 = arith.muli %while3A_53, %while3A_52 : i32
    %while3A_55 = arith.addi %while3A_49, %while3A_54 : i32
    %while3A_56 = arith.constant 1 : i32
    scf.for %while3A_63 = %while3A_49 to %while3A_55 step %while3A_56  : i32 {
      %dma_wait3A = arith.constant 0 : i32
      %dma_wait3A_64 = arith.constant 0 : i32
      %dma_wait3A_65 = arith.constant 0 : i32
      %dma_wait3A_66 = tpu.memref_slice %arg9[%dma_wait3A, %dma_wait3A_64, %dma_wait3A_65] : memref<2x128x128xf32, #tpu.memory_space<vmem>> -> memref<1x128x128xf32, #tpu.memory_space<vmem>>
      %dma_wait3A_67 = tpu.memref_squeeze %dma_wait3A_66 : memref<1x128x128xf32, #tpu.memory_space<vmem>> -> memref<128x128xf32, #tpu.memory_space<vmem>>
      %dma_wait3A_68 = arith.constant 0 : i32
      %dma_wait3A_69 = arith.constant 0 : i32
      %dma_wait3A_70 = tpu.memref_slice %arg5[%dma_wait3A_68, %dma_wait3A_69] : memref<100000x200xf32, #tpu.memory_space<hbm>> -> memref<128x128xf32, #tpu.memory_space<hbm>>
      %dma_wait3A_71 = arith.constant 0 : i32
      %dma_wait3A_72 = arith.constant 0 : i32
      %dma_wait3A_73 = tpu.memref_slice %arg5[%dma_wait3A_71, %dma_wait3A_72] : memref<100000x200xf32, #tpu.memory_space<hbm>> -> memref<128x128xf32, #tpu.memory_space<hbm>>
      %dma_wait3A_74 = arith.constant 0 : i32
      %dma_wait3A_75 = arith.constant 0 : i32
      %dma_wait3A_76 = tpu.memref_slice %arg9[%dma_wait3A, %dma_wait3A_74, %dma_wait3A_75] : memref<2x128x128xf32, #tpu.memory_space<vmem>> -> memref<1x128x128xf32, #tpu.memory_space<vmem>>
      %dma_wait3A_77 = tpu.memref_squeeze %dma_wait3A_76 : memref<1x128x128xf32, #tpu.memory_space<vmem>> -> memref<128x128xf32, #tpu.memory_space<vmem>>
      tpu.wait_dma2 semaphore(%arg12 : memref<!tpu.dma_semaphore, #tpu.memory_space<semaphore_mem>>) src(%dma_wait3A_77 : memref<128x128xf32, #tpu.memory_space<vmem>>) dst(%dma_wait3A_73 : memref<128x128xf32, #tpu.memory_space<hbm>>)
      %dma_wait3A_78 = arith.constant 0 : i32
      %dma_wait3A_79 = arith.constant 0 : i32
      %dma_wait3A_80 = arith.constant 0 : i32
      %dma_wait3A_81 = tpu.memref_slice %arg9[%dma_wait3A_78, %dma_wait3A_79, %dma_wait3A_80] : memref<2x128x128xf32, #tpu.memory_space<vmem>> -> memref<1x128x128xf32, #tpu.memory_space<vmem>>
      %dma_wait3A_82 = tpu.memref_squeeze %dma_wait3A_81 : memref<1x128x128xf32, #tpu.memory_space<vmem>> -> memref<128x128xf32, #tpu.memory_space<vmem>>
      %dma_wait3A_83 = arith.constant 0 : i32
      %dma_wait3A_84 = arith.constant 0 : i32
      %dma_wait3A_85 = tpu.memref_slice %arg5[%dma_wait3A_83, %dma_wait3A_84] : memref<100000x200xf32, #tpu.memory_space<hbm>> -> memref<128x128xf32, #tpu.memory_space<hbm>>
      %dma_wait3A_86 = arith.constant 0 : i32
      %dma_wait3A_87 = arith.constant 0 : i32
      %dma_wait3A_88 = tpu.memref_slice %arg5[%dma_wait3A_86, %dma_wait3A_87] : memref<100000x200xf32, #tpu.memory_space<hbm>> -> memref<128x128xf32, #tpu.memory_space<hbm>>
      %dma_wait3A_89 = arith.constant 0 : i32
      %dma_wait3A_90 = arith.constant 0 : i32
      %dma_wait3A_91 = tpu.memref_slice %arg9[%dma_wait3A_78, %dma_wait3A_89, %dma_wait3A_90] : memref<2x128x128xf32, #tpu.memory_space<vmem>> -> memref<1x128x128xf32, #tpu.memory_space<vmem>>
      %dma_wait3A_92 = tpu.memref_squeeze %dma_wait3A_91 : memref<1x128x128xf32, #tpu.memory_space<vmem>> -> memref<128x128xf32, #tpu.memory_space<vmem>>
      tpu.wait_dma2 semaphore(%arg12 : memref<!tpu.dma_semaphore, #tpu.memory_space<semaphore_mem>>) src(%dma_wait3A_92 : memref<128x128xf32, #tpu.memory_space<vmem>>) dst(%dma_wait3A_88 : memref<128x128xf32, #tpu.memory_space<hbm>>)
    }
    %while3A_57 = arith.constant 1 : i32
    scf.for %while3A_63 = %while3A_55 to %while3A_51 step %while3A_57  : i32 {
      %dma_wait3A = arith.constant 0 : i32
      %dma_wait3A_64 = arith.constant 0 : i32
      %dma_wait3A_65 = arith.constant 0 : i32
      %dma_wait3A_66 = tpu.memref_slice %arg9[%dma_wait3A, %dma_wait3A_64, %dma_wait3A_65] : memref<2x128x128xf32, #tpu.memory_space<vmem>> -> memref<1x128x128xf32, #tpu.memory_space<vmem>>
      %dma_wait3A_67 = tpu.memref_squeeze %dma_wait3A_66 : memref<1x128x128xf32, #tpu.memory_space<vmem>> -> memref<128x128xf32, #tpu.memory_space<vmem>>
      %dma_wait3A_68 = arith.constant 0 : i32
      %dma_wait3A_69 = arith.constant 0 : i32
      %dma_wait3A_70 = tpu.memref_slice %arg5[%dma_wait3A_68, %dma_wait3A_69] : memref<100000x200xf32, #tpu.memory_space<hbm>> -> memref<128x128xf32, #tpu.memory_space<hbm>>
      %dma_wait3A_71 = arith.constant 0 : i32
      %dma_wait3A_72 = arith.constant 0 : i32
      %dma_wait3A_73 = tpu.memref_slice %arg5[%dma_wait3A_71, %dma_wait3A_72] : memref<100000x200xf32, #tpu.memory_space<hbm>> -> memref<128x128xf32, #tpu.memory_space<hbm>>
      %dma_wait3A_74 = arith.constant 0 : i32
      %dma_wait3A_75 = arith.constant 0 : i32
      %dma_wait3A_76 = tpu.memref_slice %arg9[%dma_wait3A, %dma_wait3A_74, %dma_wait3A_75] : memref<2x128x128xf32, #tpu.memory_space<vmem>> -> memref<1x128x128xf32, #tpu.memory_space<vmem>>
      %dma_wait3A_77 = tpu.memref_squeeze %dma_wait3A_76 : memref<1x128x128xf32, #tpu.memory_space<vmem>> -> memref<128x128xf32, #tpu.memory_space<vmem>>
      tpu.wait_dma2 semaphore(%arg12 : memref<!tpu.dma_semaphore, #tpu.memory_space<semaphore_mem>>) src(%dma_wait3A_77 : memref<128x128xf32, #tpu.memory_space<vmem>>) dst(%dma_wait3A_73 : memref<128x128xf32, #tpu.memory_space<hbm>>)
      %dma_wait3A_78 = arith.constant 0 : i32
      %dma_wait3A_79 = arith.constant 0 : i32
      %dma_wait3A_80 = arith.constant 0 : i32
      %dma_wait3A_81 = tpu.memref_slice %arg9[%dma_wait3A_78, %dma_wait3A_79, %dma_wait3A_80] : memref<2x128x128xf32, #tpu.memory_space<vmem>> -> memref<1x128x128xf32, #tpu.memory_space<vmem>>
      %dma_wait3A_82 = tpu.memref_squeeze %dma_wait3A_81 : memref<1x128x128xf32, #tpu.memory_space<vmem>> -> memref<128x128xf32, #tpu.memory_space<vmem>>
      %dma_wait3A_83 = arith.constant 0 : i32
      %dma_wait3A_84 = arith.constant 0 : i32
      %dma_wait3A_85 = tpu.memref_slice %arg5[%dma_wait3A_83, %dma_wait3A_84] : memref<100000x200xf32, #tpu.memory_space<hbm>> -> memref<128x128xf32, #tpu.memory_space<hbm>>
      %dma_wait3A_86 = arith.constant 0 : i32
      %dma_wait3A_87 = arith.constant 0 : i32
      %dma_wait3A_88 = tpu.memref_slice %arg5[%dma_wait3A_86, %dma_wait3A_87] : memref<100000x200xf32, #tpu.memory_space<hbm>> -> memref<128x128xf32, #tpu.memory_space<hbm>>
      %dma_wait3A_89 = arith.constant 0 : i32
      %dma_wait3A_90 = arith.constant 0 : i32
      %dma_wait3A_91 = tpu.memref_slice %arg9[%dma_wait3A_78, %dma_wait3A_89, %dma_wait3A_90] : memref<2x128x128xf32, #tpu.memory_space<vmem>> -> memref<1x128x128xf32, #tpu.memory_space<vmem>>
      %dma_wait3A_92 = tpu.memref_squeeze %dma_wait3A_91 : memref<1x128x128xf32, #tpu.memory_space<vmem>> -> memref<128x128xf32, #tpu.memory_space<vmem>>
      tpu.wait_dma2 semaphore(%arg12 : memref<!tpu.dma_semaphore, #tpu.memory_space<semaphore_mem>>) src(%dma_wait3A_92 : memref<128x128xf32, #tpu.memory_space<vmem>>) dst(%dma_wait3A_88 : memref<128x128xf32, #tpu.memory_space<hbm>>)
    }
    %eq3A_58 = arith.constant 31 : i32
    %eq3A_59 = arith.cmpi eq, %add3A, %eq3A_58 : i32
    %convert_element_type3A_60 = arith.extui %eq3A_59 : i1 to i32
    %cond3A_61 = arith.constant 0 : i32
    %cond3A_62 = arith.cmpi ne, %convert_element_type3A_60, %cond3A_61 : i32
    scf.if %cond3A_62 {
      %get3A = arith.constant 3072 : index
      %get3A_63 = tpu.vector_load %arg6[%get3A] {strides = array<i32>} : memref<3200xi32, #tpu.memory_space<vmem>>, vector<16xi32>,
      %get3A_64 = arith.constant 3088 : index
      %get3A_65 = tpu.vector_load %arg6[%get3A_64] {strides = array<i32>} : memref<3200xi32, #tpu.memory_space<vmem>>, vector<16xi32>,
      %parallel_loop3A = arith.constant 0 : i32
      %parallel_loop3A_66 = arith.constant 128 : i32
      %parallel_loop3A_67 = arith.constant 1 : i32
      %parallel_loop3A_68:2 = scf.for %parallel_loop3A_70 = %parallel_loop3A to %parallel_loop3A_66 step %parallel_loop3A_67 iter_args(%parallel_loop3A_71 = %get3A_63, %parallel_loop3A_72 = %get3A_65) -> (vector<16xi32>, vector<16xi32>)  : i32 {
        %parallel_loop3A_73 = vector.broadcast %parallel_loop3A_70 : i32 to vector<16xi32>
        %parallel_loop3A_74 = arith.addi %parallel_loop3A_73, %iota3A : vector<16xi32>
        %parallel_loop3A_75 = arith.constant 127 : i32
        %parallel_loop3A_76 = vector.broadcast %parallel_loop3A_75 : i32 to vector<16xi32>
        %parallel_loop3A_77 = arith.andi %parallel_loop3A_74, %parallel_loop3A_76 : vector<16xi32>
        %parallel_loop3A_78 = arith.constant 0 : i32
        %parallel_loop3A_79 = vector.broadcast %parallel_loop3A_78 : i32 to vector<16xi32>
        %parallel_loop3A_80 = arith.addi %iota3A, %parallel_loop3A_79 : vector<16xi32>
        %parallel_loop3A_81 = tpu.vector_load_idx %arg7[%parallel_loop3A_71, %parallel_loop3A_77] : memref<120x128xf32, #tpu.memory_space<vmem>>[vector<16xi32>, vector<16xi32>], vector<16xf32>,
        %parallel_loop3A_82 = arith.constant 0 : i32
        %parallel_loop3A_83 = arith.constant 0 : i32
        %parallel_loop3A_84 = arith.constant 0 : i32
        %parallel_loop3A_85 = tpu.memref_slice %arg9[%parallel_loop3A_82, %parallel_loop3A_83, %parallel_loop3A_84] : memref<2x128x128xf32, #tpu.memory_space<vmem>> -> memref<1x128x128xf32, #tpu.memory_space<vmem>>
        %parallel_loop3A_86 = tpu.memref_squeeze %parallel_loop3A_85 : memref<1x128x128xf32, #tpu.memory_space<vmem>> -> memref<128x128xf32, #tpu.memory_space<vmem>>
        tpu.vector_store_idx %parallel_loop3A_86[%parallel_loop3A_80, %parallel_loop3A_77], %parallel_loop3A_81 : memref<128x128xf32, #tpu.memory_space<vmem>>[vector<16xi32>, vector<16xi32>], vector<16xf32>,
        %parallel_loop3A_87 = tpu.vector_load_idx %arg8[%parallel_loop3A_71, %parallel_loop3A_77] : memref<120x128xf32, #tpu.memory_space<vmem>>[vector<16xi32>, vector<16xi32>], vector<16xf32>,
        %parallel_loop3A_88 = arith.constant 0 : i32
        %parallel_loop3A_89 = arith.constant 0 : i32
        %parallel_loop3A_90 = arith.constant 0 : i32
        %parallel_loop3A_91 = tpu.memref_slice %arg10[%parallel_loop3A_88, %parallel_loop3A_89, %parallel_loop3A_90] : memref<2x128x128xf32, #tpu.memory_space<vmem>> -> memref<1x128x128xf32, #tpu.memory_space<vmem>>
        %parallel_loop3A_92 = tpu.memref_squeeze %parallel_loop3A_91 : memref<1x128x128xf32, #tpu.memory_space<vmem>> -> memref<128x128xf32, #tpu.memory_space<vmem>>
        tpu.vector_store_idx %parallel_loop3A_92[%parallel_loop3A_80, %parallel_loop3A_77], %parallel_loop3A_87 : memref<128x128xf32, #tpu.memory_space<vmem>>[vector<16xi32>, vector<16xi32>], vector<16xf32>,
        %parallel_loop3A_93 = arith.constant 16 : i32
        %parallel_loop3A_94 = vector.broadcast %parallel_loop3A_93 : i32 to vector<16xi32>
        %parallel_loop3A_95 = arith.addi %iota3A, %parallel_loop3A_94 : vector<16xi32>
        %parallel_loop3A_96 = tpu.vector_load_idx %arg7[%parallel_loop3A_72, %parallel_loop3A_77] : memref<120x128xf32, #tpu.memory_space<vmem>>[vector<16xi32>, vector<16xi32>], vector<16xf32>,
        %parallel_loop3A_97 = arith.constant 0 : i32
        %parallel_loop3A_98 = arith.constant 0 : i32
        %parallel_loop3A_99 = arith.constant 0 : i32
        %parallel_loop3A_100 = tpu.memref_slice %arg9[%parallel_loop3A_97, %parallel_loop3A_98, %parallel_loop3A_99] : memref<2x128x128xf32, #tpu.memory_space<vmem>> -> memref<1x128x128xf32, #tpu.memory_space<vmem>>
        %parallel_loop3A_101 = tpu.memref_squeeze %parallel_loop3A_100 : memref<1x128x128xf32, #tpu.memory_space<vmem>> -> memref<128x128xf32, #tpu.memory_space<vmem>>
        tpu.vector_store_idx %parallel_loop3A_101[%parallel_loop3A_95, %parallel_loop3A_77], %parallel_loop3A_96 : memref<128x128xf32, #tpu.memory_space<vmem>>[vector<16xi32>, vector<16xi32>], vector<16xf32>,
        %parallel_loop3A_102 = tpu.vector_load_idx %arg8[%parallel_loop3A_72, %parallel_loop3A_77] : memref<120x128xf32, #tpu.memory_space<vmem>>[vector<16xi32>, vector<16xi32>], vector<16xf32>,
        %parallel_loop3A_103 = arith.constant 0 : i32
        %parallel_loop3A_104 = arith.constant 0 : i32
        %parallel_loop3A_105 = arith.constant 0 : i32
        %parallel_loop3A_106 = tpu.memref_slice %arg10[%parallel_loop3A_103, %parallel_loop3A_104, %parallel_loop3A_105] : memref<2x128x128xf32, #tpu.memory_space<vmem>> -> memref<1x128x128xf32, #tpu.memory_space<vmem>>
        %parallel_loop3A_107 = tpu.memref_squeeze %parallel_loop3A_106 : memref<1x128x128xf32, #tpu.memory_space<vmem>> -> memref<128x128xf32, #tpu.memory_space<vmem>>
        tpu.vector_store_idx %parallel_loop3A_107[%parallel_loop3A_95, %parallel_loop3A_77], %parallel_loop3A_102 : memref<128x128xf32, #tpu.memory_space<vmem>>[vector<16xi32>, vector<16xi32>], vector<16xf32>,
        scf.yield %parallel_loop3A_71, %parallel_loop3A_72 : vector<16xi32>, vector<16xi32>
      } {sc.loop_unroll_factor = 8 : i64, sc.parallel_access}
      %run_scoped3A = arith.constant 0 : i32
      "tpu.region"() ({
        %run_scoped3A_70 = tpu.sem_alloc : memref<!tpu.dma_semaphore, #tpu.memory_space<semaphore_mem>>
        %dma_start3A = arith.constant 0 : i32
        %dma_start3A_71 = arith.constant 0 : i32
        %dma_start3A_72 = tpu.memref_slice %arg9[%run_scoped3A, %dma_start3A, %dma_start3A_71] : memref<2x128x128xf32, #tpu.memory_space<vmem>> -> memref<1x32x128xf32, #tpu.memory_space<vmem>>
        %dma_start3A_73 = tpu.memref_squeeze %dma_start3A_72 : memref<1x32x128xf32, #tpu.memory_space<vmem>> -> memref<32x128xf32, #tpu.memory_space<vmem>>
        %dma_start3A_74 = arith.constant 99968 : i32
        %dma_start3A_75 = arith.constant 0 : i32
        %dma_start3A_76 = tpu.memref_slice %arg5[%dma_start3A_74, %dma_start3A_75] : memref<100000x200xf32, #tpu.memory_space<hbm>> -> memref<32x128xf32, #tpu.memory_space<hbm>>
        %dma_start3A_77 = arith.constant 99968 : i32
        %dma_start3A_78 = arith.constant 0 : i32
        %dma_start3A_79 = tpu.memref_slice %arg5[%dma_start3A_77, %dma_start3A_78] : memref<100000x200xf32, #tpu.memory_space<hbm>> -> memref<32x128xf32, #tpu.memory_space<hbm>>
        %dma_start3A_80 = arith.constant 0 : i32
        %dma_start3A_81 = arith.constant 0 : i32
        %dma_start3A_82 = tpu.memref_slice %arg9[%run_scoped3A, %dma_start3A_80, %dma_start3A_81] : memref<2x128x128xf32, #tpu.memory_space<vmem>> -> memref<1x32x128xf32, #tpu.memory_space<vmem>>
        %dma_start3A_83 = tpu.memref_squeeze %dma_start3A_82 : memref<1x32x128xf32, #tpu.memory_space<vmem>> -> memref<32x128xf32, #tpu.memory_space<vmem>>
        tpu.enqueue_dma source(%dma_start3A_83 : memref<32x128xf32, #tpu.memory_space<vmem>>) target(%dma_start3A_79 : memref<32x128xf32, #tpu.memory_space<hbm>>) target_semaphore(%run_scoped3A_70 : memref<!tpu.dma_semaphore, #tpu.memory_space<semaphore_mem>>)
        %dma_wait3A = arith.constant 0 : i32
        %dma_wait3A_84 = arith.constant 0 : i32
        %dma_wait3A_85 = tpu.memref_slice %arg9[%run_scoped3A, %dma_wait3A, %dma_wait3A_84] : memref<2x128x128xf32, #tpu.memory_space<vmem>> -> memref<1x32x128xf32, #tpu.memory_space<vmem>>
        %dma_wait3A_86 = tpu.memref_squeeze %dma_wait3A_85 : memref<1x32x128xf32, #tpu.memory_space<vmem>> -> memref<32x128xf32, #tpu.memory_space<vmem>>
        %dma_wait3A_87 = arith.constant 99968 : i32
        %dma_wait3A_88 = arith.constant 0 : i32
        %dma_wait3A_89 = tpu.memref_slice %arg5[%dma_wait3A_87, %dma_wait3A_88] : memref<100000x200xf32, #tpu.memory_space<hbm>> -> memref<32x128xf32, #tpu.memory_space<hbm>>
        %dma_wait3A_90 = arith.constant 99968 : i32
        %dma_wait3A_91 = arith.constant 0 : i32
        %dma_wait3A_92 = tpu.memref_slice %arg5[%dma_wait3A_90, %dma_wait3A_91] : memref<100000x200xf32, #tpu.memory_space<hbm>> -> memref<32x128xf32, #tpu.memory_space<hbm>>
        %dma_wait3A_93 = arith.constant 0 : i32
        %dma_wait3A_94 = arith.constant 0 : i32
        %dma_wait3A_95 = tpu.memref_slice %arg9[%run_scoped3A, %dma_wait3A_93, %dma_wait3A_94] : memref<2x128x128xf32, #tpu.memory_space<vmem>> -> memref<1x32x128xf32, #tpu.memory_space<vmem>>
        %dma_wait3A_96 = tpu.memref_squeeze %dma_wait3A_95 : memref<1x32x128xf32, #tpu.memory_space<vmem>> -> memref<32x128xf32, #tpu.memory_space<vmem>>
        tpu.wait_dma2 semaphore(%run_scoped3A_70 : memref<!tpu.dma_semaphore, #tpu.memory_space<semaphore_mem>>) src(%dma_wait3A_96 : memref<32x128xf32, #tpu.memory_space<vmem>>) dst(%dma_wait3A_92 : memref<32x128xf32, #tpu.memory_space<hbm>>)
        tpu.yield
      }) : () -> ()
      %run_scoped3A_69 = arith.constant 0 : i32
      "tpu.region"() ({
        %run_scoped3A_70 = tpu.sem_alloc : memref<!tpu.dma_semaphore, #tpu.memory_space<semaphore_mem>>
        %dma_start3A = arith.constant 0 : i32
        %dma_start3A_71 = arith.constant 0 : i32
        %dma_start3A_72 = tpu.memref_slice %arg10[%run_scoped3A_69, %dma_start3A, %dma_start3A_71] : memref<2x128x128xf32, #tpu.memory_space<vmem>> -> memref<1x32x128xf32, #tpu.memory_space<vmem>>
        %dma_start3A_73 = tpu.memref_squeeze %dma_start3A_72 : memref<1x32x128xf32, #tpu.memory_space<vmem>> -> memref<32x128xf32, #tpu.memory_space<vmem>>
        %dma_start3A_74 = arith.constant 99968 : i32
        %dma_start3A_75 = tpu.memref_slice %arg5[%dma_start3A_74, %add3A_16] : memref<100000x200xf32, #tpu.memory_space<hbm>> -> memref<32x128xf32, #tpu.memory_space<hbm>>
        %dma_start3A_76 = arith.constant 99968 : i32
        %dma_start3A_77 = tpu.memref_slice %arg5[%dma_start3A_76, %add3A_16] : memref<100000x200xf32, #tpu.memory_space<hbm>> -> memref<32x128xf32, #tpu.memory_space<hbm>>
        %dma_start3A_78 = arith.constant 0 : i32
        %dma_start3A_79 = arith.constant 0 : i32
        %dma_start3A_80 = tpu.memref_slice %arg10[%run_scoped3A_69, %dma_start3A_78, %dma_start3A_79] : memref<2x128x128xf32, #tpu.memory_space<vmem>> -> memref<1x32x128xf32, #tpu.memory_space<vmem>>
        %dma_start3A_81 = tpu.memref_squeeze %dma_start3A_80 : memref<1x32x128xf32, #tpu.memory_space<vmem>> -> memref<32x128xf32, #tpu.memory_space<vmem>>
        tpu.enqueue_dma source(%dma_start3A_81 : memref<32x128xf32, #tpu.memory_space<vmem>>) target(%dma_start3A_77 : memref<32x128xf32, #tpu.memory_space<hbm>>) target_semaphore(%run_scoped3A_70 : memref<!tpu.dma_semaphore, #tpu.memory_space<semaphore_mem>>)
        %dma_wait3A = arith.constant 0 : i32
        %dma_wait3A_82 = arith.constant 0 : i32
        %dma_wait3A_83 = tpu.memref_slice %arg10[%run_scoped3A_69, %dma_wait3A, %dma_wait3A_82] : memref<2x128x128xf32, #tpu.memory_space<vmem>> -> memref<1x32x128xf32, #tpu.memory_space<vmem>>
        %dma_wait3A_84 = tpu.memref_squeeze %dma_wait3A_83 : memref<1x32x128xf32, #tpu.memory_space<vmem>> -> memref<32x128xf32, #tpu.memory_space<vmem>>
        %dma_wait3A_85 = arith.constant 99968 : i32
        %dma_wait3A_86 = tpu.memref_slice %arg5[%dma_wait3A_85, %add3A_16] : memref<100000x200xf32, #tpu.memory_space<hbm>> -> memref<32x128xf32, #tpu.memory_space<hbm>>
        %dma_wait3A_87 = arith.constant 99968 : i32
        %dma_wait3A_88 = tpu.memref_slice %arg5[%dma_wait3A_87, %add3A_16] : memref<100000x200xf32, #tpu.memory_space<hbm>> -> memref<32x128xf32, #tpu.memory_space<hbm>>
        %dma_wait3A_89 = arith.constant 0 : i32
        %dma_wait3A_90 = arith.constant 0 : i32
        %dma_wait3A_91 = tpu.memref_slice %arg10[%run_scoped3A_69, %dma_wait3A_89, %dma_wait3A_90] : memref<2x128x128xf32, #tpu.memory_space<vmem>> -> memref<1x32x128xf32, #tpu.memory_space<vmem>>
        %dma_wait3A_92 = tpu.memref_squeeze %dma_wait3A_91 : memref<1x32x128xf32, #tpu.memory_space<vmem>> -> memref<32x128xf32, #tpu.memory_space<vmem>>
        tpu.wait_dma2 semaphore(%run_scoped3A_70 : memref<!tpu.dma_semaphore, #tpu.memory_space<semaphore_mem>>) src(%dma_wait3A_92 : memref<32x128xf32, #tpu.memory_space<vmem>>) dst(%dma_wait3A_88 : memref<32x128xf32, #tpu.memory_space<hbm>>)
        tpu.yield
      }) : () -> ()
    } else {
    }
    return
  }
}

</mosaic_0001>

<sc_bundles>
// kernel: kernel.3.cloned.1.call-start
scs
__scs_entry_jumppad:
0x0: {  	(pc) =	sbr.rel $0x88, $3  }
0x1: {  	(tag) =	ssettag $0x0;
	lr =	simm.s32 $0x1  }
0x2: {  	[smem:$0x3F9F] =	sst lr;
	_ =	strace $0xD0000000  }
0x3: {  	_ = 	snop  }
0x4: {  	_ = 	snop  }
0x5: {  	_ = 	snop  }
0x6: {  	_ = 	snop  }
0x7: {  	_ = 	snop  }
__scs_overlays_trampoline_lowered:
0x8: {  	[smem:$0x3FAE] =	sst s0  }
0x9: {  	[smem:$0x3FAF] =	sst s1  }
0xa: {  	[smem:$0x3FB0] =	sst s2  }
0xb: {  	[smem:$0x3FB1] =	sst s3  }
0xc: {  	[smem:$0x3FB2] =	sst s4  }
0xd: {  	[smem:$0x3FB3] =	sst s5  }
0xe: {  	[smem:$0x3FB4] =	sst s6  }
0xf: {  	[smem:$0x3FB5] =	sst s7  }
0x10: {  	[smem:$0x3FB6] =	sst s8  }
0x11: {  	[smem:$0x3FB7] =	sst s9;
	s0 =	simm.s32 @!p0 $0x0  }
0x12: {  	s1 =	sld [smem:$0x3F9D];
	s0 =	simm.s32 @p0 $0x1  }
0x13: {  	[smem:$0x3FB8] =	sst s0;
	s0 =	simm.s32 @!p1 $0x0  }
0x14: {  	s2 =	sld [smem:$0x3F9C];
	s0 =	simm.s32 @p1 $0x1  }
0x15: {  	[smem:$0x3FB9] =	sst s0;
	s0 =	simm.s32 @!p2 $0x0  }
0x16: {  	s3 =	sld [smem:$0x3FDB];
	s0 =	simm.s32 @p2 $0x1  }
0x17: {  	s4 =	simm.s32 $0x1BF5;
	[smem:$0x3FBB] =	sst s0  }
0x18: {  	s0 =	sld [smem:$0x3F9E];
	_ =	swait.ge [sflag:s4], $0x0  }
0x19: {  	s7 =	sld [smem:$0x3F9F]  }
0x1a: {  	s8 =	sadd.s32 $0xFFFFE003, lr  }
0x1b: {  	s9 =	sadd.s32 $0xFFFFFEF7, lr;
	s5 =	simm.s32 $0xFFFFFFFF;
	p2 =	slt.u32 s8, $0xFFFFF086  }
0x1c: {  	p1 =	slt.u32 s9, $0xF7A;
	s5 =	simm.s32 @!p2 $0x0  }
0x1d: {  	s5 =	simm.s32 @p1 $0x1;
	p0 =	seq.s32 s7, s2  }
0x1e: {  	s7 =	smul.u32 @!p0 $0xF7A, s2;
	p2 =	seq.s32 @!p0 s5, $0x0  }
0x1f: {  	s9 =	smul.u32 $0xF7A, s1;
	s8 =	simm.s32 @!p0 $0x1BF5;
	p2 =	por !p2, p0  }
0x20: {  	[sflag:s8] =	ssyncset.s32 @!p0 $0xFFFFF086;
	s6 =	sadd.s32 @!p0 s3, s7;
	s7 =	simm.s32 @!p0 $0x108  }
0x21: {  	s3 =	sadd.s32 s3, s9;
	s6 =	sadd.s32 @!p0 $0x88, s6;
	s7 =	simm.s32 @p2 $0x1082  }
0x22: {  	[simem:s7], [sflag:s8] =	dma.local @!p0 [hbm:s6], $0xF7A  }
0x23: {  	s9 =	sor.u32 $0xD0000000, s2;
	s6 =	simm.s32 $0x108;
	_ =	swait.ge @!p0 [sflag:s8], $0x0  }
0x24: {  	s3 =	sadd.s32 $0x88, s3;
	s6 =	simm.s32 @!p1 $0x1082;
	[sflag:s4] =	ssyncset.s32 $0xFFFFF086  }
0x25: {  	[simem:s6], [sflag:s4] =	dma.local [hbm:s3], $0xF7A  }
0x26: {  	[smem:$0x3F9F] =	sst s1;
	(tag) =	ssettag s2;
	_ =	strace s9  }
0x27: {  	s1 =	sld [smem:$0x3FAF]  }
0x28: {  	s2 =	sld [smem:$0x3FB0]  }
0x29: {  	s4 =	sld [smem:$0x3FB2]  }
0x2a: {  	p0 =	seq.s32 s5, $0x0;
	s5 =	sld [smem:$0x3FB3]  }
0x2b: {  	s6 =	sld [smem:$0x3FB4]  }
0x2c: {  	s7 =	sld [smem:$0x3FB5]  }
0x2d: {  	s3 =	simm.s32 $0x108;
	s8 =	sld [smem:$0x3FB6]  }
0x2e: {  	s3 =	simm.s32 @!p0 $0x1082;
	s9 =	sld [smem:$0x3FB7]  }
0x2f: {  	lr =	sadd.s32 s0, s3;
	s0 =	sld [smem:$0x3FAE]  }
0x30: {  	s3 =	sld [smem:$0x3FB1]  }
0x31: {  	[smem:$0x3FBA] =	sst s10  }
0x32: {  	s10 =	sld [smem:$0x3FB8];
	_ =	sdelay $0x3  }
0x33: {  	p0 =	seq.s32 s10, $0x1;
	s10 =	sld [smem:$0x3FBA];
	_ =	sdelay $0x3  }
0x34: {  	[smem:$0x3FBA] =	sst s10  }
0x35: {  	s10 =	sld [smem:$0x3FB9];
	_ =	sdelay $0x3  }
0x36: {  	p1 =	seq.s32 s10, $0x1;
	s10 =	sld [smem:$0x3FBA];
	_ =	sdelay $0x3  }
0x37: {  	[smem:$0x3FBA] =	sst s10  }
0x38: {  	s10 =	sld [smem:$0x3FBB]  }
0x39: {  	_ = 	snop;
	(pc) =	sbr.ind lr, $3  }
0x3a: {  	_ = 	snop  }
0x3b: {  	_ = 	snop  }
0x3c: {  	p2 =	seq.s32 s10, $0x1;
	s10 =	sld [smem:$0x3FBA]  }
0x3d: {  	_ =	shalt  }
0x3e: {  	_ =	shalt  }
0x3f: {  	_ =	shalt  }
0x40: {  	_ =	shalt  }
0x41: {  	_ =	shalt  }
0x42: {  	_ =	shalt  }
0x43: {  	_ =	shalt  }
0x44: {  	_ =	shalt  }
0x45: {  	_ =	shalt  }
0x46: {  	_ =	shalt  }
0x47: {  	_ =	shalt  }
0x48: {  	_ =	shalt  }
0x49: {  	_ =	shalt  }
0x4a: {  	_ =	shalt  }
0x4b: {  	_ =	shalt  }
0x4c: {  	_ =	shalt  }
0x4d: {  	_ =	shalt  }
0x4e: {  	_ =	shalt  }
0x4f: {  	_ =	shalt  }
0x50: {  	_ =	shalt  }
0x51: {  	_ =	shalt  }
0x52: {  	_ =	shalt  }
0x53: {  	_ =	shalt  }
0x54: {  	_ =	shalt  }
0x55: {  	_ =	shalt  }
0x56: {  	_ =	shalt  }
0x57: {  	_ =	shalt  }
0x58: {  	_ =	shalt  }
0x59: {  	_ =	shalt  }
0x5a: {  	_ =	shalt  }
0x5b: {  	_ =	shalt  }
0x5c: {  	_ =	shalt  }
0x5d: {  	_ =	shalt  }
0x5e: {  	_ =	shalt  }
0x5f: {  	_ =	shalt  }
0x60: {  	_ =	shalt  }
0x61: {  	_ =	shalt  }
0x62: {  	_ =	shalt  }
0x63: {  	_ =	shalt  }
0x64: {  	_ =	shalt  }
0x65: {  	_ =	shalt  }
0x66: {  	_ =	shalt  }
0x67: {  	_ =	shalt  }
0x68: {  	_ =	shalt  }
0x69: {  	_ =	shalt  }
0x6a: {  	_ =	shalt  }
0x6b: {  	_ =	shalt  }
0x6c: {  	_ =	shalt  }
0x6d: {  	_ =	shalt  }
0x6e: {  	_ =	shalt  }
0x6f: {  	_ =	shalt  }
0x70: {  	_ =	shalt  }
0x71: {  	_ =	shalt  }
0x72: {  	_ =	shalt  }
0x73: {  	_ =	shalt  }
0x74: {  	_ =	shalt  }
0x75: {  	_ =	shalt  }
0x76: {  	_ =	shalt  }
0x77: {  	_ =	shalt  }
0x78: {  	_ =	shalt  }
0x79: {  	_ =	shalt  }
0x7a: {  	_ =	shalt  }
0x7b: {  	_ =	shalt  }
0x7c: {  	_ =	shalt  }
0x7d: {  	_ =	shalt  }
0x7e: {  	_ =	shalt  }
0x7f: {  	_ =	shalt  }
0x80: {  	_ =	shalt  }
0x81: {  	_ =	shalt  }
0x82: {  	_ =	shalt  }
0x83: {  	_ =	shalt  }
0x84: {  	_ =	shalt  }
0x85: {  	_ =	shalt  }
0x86: {  	_ =	shalt  }
0x87: {  	_ =	shalt  }
.Lfunc_end0:
.L_simem_size_0:
called_computation_lowered:
.L_overlay_start_0:
0x88: {  	s2 =	sld [smem:$0x3FD9]  }
0x89: {  	s3 =	sld [smem:$0x3FFE];
	_ =	sdelay $0x1  }
0x8a: {  	s1 =	srdreg.scid  }
0x8b: {  	s0 =	sand.u32 $0x1, s1  }
0x8c: {  	s17 =	sshll.u32 s0, $0xA;
	s2 =	sadd.s32 s3, s2  }
0x8d: {  	s2 =	sadd.s32 s2, s17  }
0x8e: {  	[smem:$0x3FC6] =	sst s2  }
0x8f: {  	_ = 	snop  }
0x90: {  	s2 =	sld [smem:$0x3FC9]  }
0x91: {  	s18 =	sld [smem:$0x3FD0];
	(tm) =	ssettm $0x1  }
0x92: {  	s4 =	sld [smem:$0x3FFB];
	_ =	sdelay $0x3  }
0x93: {  	_ =	strace s4  }
0x94: {  	s4 =	sld [smem:$0x3FFC];
	_ =	sdelay $0x3  }
0x95: {  	_ =	strace s4  }
0x96: {  	s4 =	sld [smem:$0x3FFD];
	_ =	sdelay $0x3  }
0x97: {  	_ =	strace s4  }
0x98: {  	_ =	strace $0x8FFFFFFF  }
0x99: {  	s19 =	sld [smem:$0x3FDB];
	_ =	sdelay $0x1  }
0x9a: {  	s5 =	simm.s32 $_scs_section_size  }
0x9b: {  	s6 =	simm.s32 $_size__tile_overlayer_lowered;
	s7 =	simm.s32 $_tile_overlayer_lowered  }
0x9c: {  	s22 =	simm.s32 $0x1BFF;
	s21 =	sshll.u32 s7, $0x1;
	s4 =	sadd.s32 s5, s19  }
0x9d: {  	s8 =	simm.s32 $0x0;
	s20 =	sshll.u32 s6, $0x1;
	s6 =	sadd.s32 s21, s4  }
0x9e: {  	[timem:s8], [sflag:s22] =	dma.local [hbm:s6], s20  }
0x9f: {  	_ =	swait.ge [sflag:s22], s20  }
0xa0: {  	s5 =	ssub.s32 $0x0, s20;
	[sflag:s22] =	ssyncset.done $0x0  }
0xa1: {  	[sflag:s22] =	ssyncadd.s32 s5;
	_ =	sdelay $0x1  }
0xa2: {  	s23 =	simm.s32 $0x1B8B  }
0xa3: {  	_ =	swait.ge [sflag:s23], $0x1  }
0xa4: {  	[sflag:s23] =	ssyncset.done $0x0  }
0xa5: {  	s25 =	simm.s32 $0x1B8E;
	s24 =	sld [smem:$0x3FFE];
	[sflag:s23] =	ssyncadd.s32 $0xFFFFFFFF  }
0xa6: {  	s26 =	simm.s32 $execute0_lowered;
	[smem:$0x3FD2] =	sst s25  }
0xa7: {  	s6 =	sshll.u32 s26, $0x1;
	_ =	strace $0x80000046;
	[dreg:$0x1] =	wrdreg $0xFFFFFFFF  }
0xa8: {  	s28 =	simm.s32 $_size_execute0_lowered;
	s4 =	sadd.s32 s4, s6;
	[dreg:$0x0] =	wrdreg $0x0  }
0xa9: {  	s6 =	sshll.u32 s28, $0x1;
	[dreg:$0x2] =	wrdreg s4  }
0xaa: {  	[dreg:$0x3] =	wrdreg s6  }
0xab: {  	[dreg:$0x4] =	wrdreg $0xC0  }
0xac: {  	_ =	task [dreg:s8], $0x5FFFF  }
0xad: {  	[dreg:$0x1] =	wrdreg $0xFFFFFFFF  }
0xae: {  	[dreg:$0x0] =	wrdreg $0x60  }
0xaf: {  	[dreg:$0x2] =	wrdreg s2  }
0xb0: {  	[dreg:$0x3] =	wrdreg s18  }
0xb1: {  	[dreg:$0x4] =	wrdreg s24  }
0xb2: {  	[dreg:$0x5] =	wrdreg $0x9  }
0xb3: {  	_ =	task.clear_ibuf [dreg:s8], $0x6FFFF;
	_ =	strace $0x90000046  }
0xb4: {  	s29 =	simm.s32 $0x9;
	_ =	strace $0x80000048  }
0xb5: {  	_ =	swait.ge [sflag:s29], $0x1  }
0xb6: {  	[sflag:s29] =	ssyncadd.s32 $0xFFFFFFFF  }
0xb7: {  	_ =	strace $0x90000048  }
0xb8: {  	_ =	sfence  }
0xb9: {  	s30 =	sld [smem:$0x0];
	_ =	sdelay $0x2  }
0xba: {  	s31 =	sshll.u32 s1, $0xD;
	s1 =	sshrl.u32 s1, $0x2  }
0xbb: {  	s3 =	sand.u32 $0x4000, s31;
	s1 =	sadd.s32 s1, s30  }
0xbc: {  	s0 =	sor.u32 s3, s0;
	s1 =	sshll.u32 s1, $0x11  }
0xbd: {  	s0 =	sor.u32 s1, s0  }
0xbe: {  	s0 =	sadd.s32 $0x8F2B, s0  }
0xbf: {  	[sflag:s0] =	ssyncadd.remote.s32 $0x1  }
0xc0: {  	_ =	sfence.sel $0xFFFF  }
0xc1: {  	[dreg:$0x0] =	wrdreg $0xFFFFFFFF;
	(pc) =	sbr.abs _section_cstart, $3  }
0xc2: {  	[dreg:$0x1] =	wrdreg $0xFFFFFFFF  }
0xc3: {  	_ =	task.clear_ibuf [dreg:s8], $0x2FFFF;
	_ =	strace $0x9FFFFFFF  }
0xc4: {  	(tm) =	ssettm $0x7FFFFFFF  }
0xc5: {  	_ =	shalt  }
tec
execute0_lowered:
.L_overlay_start_1:
0x0: {  	(tag) =	ssettag $0x1  }
0x1: {  	s11 =	rddreg [dreg:$0x0]  }
0x2: {  	s1 =	rddreg [dreg:$0x1]  }
0x3: {  	s13 =	rddreg [dreg:$0x2]  }
0x4: {  	s0 =	rddreg [dreg:$0x3]  }
0x5: {  	s3 =	simm.s32 $0x0;
	s4 =	srdreg.scid;
	s2 =	stileid.u32  }
0x6: {  	s6 =	simm.s32 $0x19;
	s15 =	simm.s32 $0xC80;
	s16 =	simm.s32 $0x3  }
0x7: {  	s17 =	simm.s32 $0x4880;
	s18 =	simm.s32 $0x1;
	s19 =	simm.s32 $0x400  }
0x8: {  	s20 =	simm.s32 $0x800;
	s21 =	simm.s32 $0x2;
	s22 =	simm.s32 $0x8480  }
0x9: {  	s23 =	simm.s32 $0x10480;
	s5 =	sand.u32 $0x1, s4;
	s30 =	sshll.u32 s2, $0x1  }
0xa: {  	[smem:$0x7FF] =	sst s3;
	s4 =	sadd.s32 $0x400, s13;
	s24 =	sor.u32 s5, s30  }
0xb: {  	_ =	strace $0x80000047;
	s8 =	ssub.s32 $0x2, s5;
	s7 =	smul.u32 $0x18, s24  }
0xc: {  	s5 =	sadd.s32 $0xC00, s13;
	s9 =	sshrl.u32 s8, $0x1;
	s10 =	smul.u32 $0x19, s24  }
0xd: {  	v0 =	vlaneseq.u32;
	p0 =	slt.u32 s24, $0xD;
	s12 =	smul.u32 $0x190, s24;
	p1 =	seq.s32 s24, $0x1F  }
.Ltmp0:
0xe: {  	v1 =	vmul.u32 $0x80, v0;
	p2 =	sne.s32 s24, $0x1F;
	s24 =	simm.s32 $0x0;
	(pc) =	sbr.rel .LBB2_1-.Ltmp0, $4  }
0xf: {  	s14 =	ssub.s32 s8, s9;
	s6 =	simm.s32 @!p0 $0x18;
	s7 =	sadd.s32 $0xD, s7  }
0x10: {  	v2 =	vor.u32 $0x800, v1;
	v3 =	vor.u32 $0x1000, v1;
	s9 =	sadd.s32 $0x30D0, s11;
	s14 =	smax.u32 s14, $0x1;
	s31 =	sshll.u32 s7, $0x4  }
0x11: {  	v4 =	vor.u32 $0x1800, v1;
	v5 =	vor.u32 $0x2000, v1;
	v6 =	vor.u32 $0x2800, v1;
	s7 =	smov.u32 @p0 s10;
	s10 =	sadd.s32 $0xC80, s13;
	s8 =	sadd.s32 s11, s31  }
0x12: {  	v7 =	vor.u32 $0x3000, v1;
	v8 =	vor.u32 $0x3800, v1;
	s11 =	sadd.s32 s11, s12;
	s12 =	sadd.s32 $0x30DC00, s13;
	s13 =	sadd.s32 $0x30DC80, s13  }
.LBB2_10:
0x13: {  	_ =	sdelay $0x3  }
0x14: {  	[tilespmem:v31+s23+$0x0] =	vst.idx.msk $0xffff, v37  }
0x15: {  	v9 =	vld.idx.msk [tilespmem:v24+s15+$0x0], $0xffff;
	[tilespmem:v23+s22+$0x0] =	vst.idx.msk $0xffff, v36;
	v10 =	vor.u32 v2, v17  }
0x16: {  	v11 =	vor.u32 v2, v11;
	v59 =	vld.idx.msk [tilespmem:v15+s15+$0x0], $0xffff;
	[tilespmem:v28+s22+$0x0] =	vst.idx.msk $0xffff, v33  }
0x17: {  	[tilespmem:v14+s23+$0x0] =	vst.idx.msk $0xffff, v34;
	v12 =	vor.u32 v2, v12  }
0x18: {  	[tilespmem:v30+s22+$0x0] =	vst.idx.msk $0xffff, v35;
	v60 =	vld.idx.msk [tilespmem:v26+s17+$0x0], $0xffff  }
0x19: {  	[tilespmem:v29+s23+$0x0] =	vst.idx.msk $0xffff, v32;
	v18 =	vld.idx.msk [tilespmem:v21+s15+$0x0], $0xffff  }
0x1a: {  	v19 =	vld.idx.msk [tilespmem:v22+s17+$0x0], $0xffff;
	[tilespmem:v10+s22+$0x0] =	vst.idx.msk $0xffff, v9  }
0x1b: {  	v9 =	vld.idx.msk [tilespmem:v27+s17+$0x0], $0xffff;
	[tilespmem:v11+s22+$0x0] =	vst.idx.msk $0xffff, v59  }
0x1c: {  	[tilespmem:v12+s22+$0x0] =	vst.idx.msk $0xffff, v16;
	v61 =	vld.idx.msk [tilespmem:v24+s17+$0x0], $0xffff  }
0x1d: {  	[tilespmem:v28+s23+$0x0] =	vst.idx.msk $0xffff, v60;
	v62 =	vld.idx.msk [tilespmem:v15+s17+$0x0], $0xffff  }
0x1e: {  	[tilespmem:v25+s22+$0x0] =	vst.idx.msk $0xffff, v18;
	v13 =	vld.idx.msk [tilespmem:v13+s17+$0x0], $0xffff  }
0x1f: {  	[tilespmem:v30+s23+$0x0] =	vst.idx.msk $0xffff, v19;
	v63 =	vld.idx.msk [tilespmem:v21+s17+$0x0], $0xffff  }
0x20: {  	[tilespmem:v23+s23+$0x0] =	vst.idx.msk $0xffff, v9  }
0x21: {  	[tilespmem:v10+s23+$0x0] =	vst.idx.msk $0xffff, v61  }
0x22: {  	[tilespmem:v11+s23+$0x0] =	vst.idx.msk $0xffff, v62  }
0x23: {  	[tilespmem:v12+s23+$0x0] =	vst.idx.msk $0xffff, v13  }
0x24: {  	[tilespmem:v25+s23+$0x0] =	vst.idx.msk $0xffff, v63  }
0x25: {  	[hbm4b:s12+s19] =	stream.strided.scatter [tilespmem:s22], [sflag:$0x3], $0x1000, s20, s19, $0x38;
	[tilespmem:$0x18480] =	vst v63  }
0x26: {  	_ =	swait.ge [sflag:s16], $0x1000  }
0x27: {  	[sflag:s16] =	ssyncset.done $0x0  }
0x28: {  	[sflag:s16] =	ssyncadd.s32 $0xFFFFF000  }
0x29: {  	[hbm4b:s13+s19] =	stream.strided.scatter [tilespmem:s23], [sflag:$0x3], $0x1000, s20, s19, $0x38;
	[tilespmem:$0x18480] =	vst v63  }
0x2a: {  	_ =	swait.ge [sflag:s16], $0x1000  }
0x2b: {  	[sflag:s16] =	ssyncset.done $0x0  }
0x2c: {  	[sflag:s16] =	ssyncadd.s32 $0xFFFFF000  }
.LBB2_11:
0x2d: {  	s24 =	sadd.s32 $0x1, s24  }
0x2e: {  	p3 =	sne.s32 s24, s14  }
.Ltmp1:
0x2f: {  	_ = 	snop;
	(pc) =	sbr.rel @!p3 .LBB2_12-.Ltmp1, $1  }
0x30: {  	_ =	sdelay $0x3  }
.LBB2_1:
0x31: {  	[tilespmem:s15], [sflag:$0x3] =	stream.linear.gather [hbm4b:s1+s3], $0x3C00, $0x38;
	[tilespmem:$0x18480] =	vst v63  }
0x32: {  	_ =	swait.ge [sflag:s16], $0x3C00  }
0x33: {  	[sflag:s16] =	ssyncset.done $0x0  }
.Ltmp2:
0x34: {  	[sflag:s16] =	ssyncadd.s32 $0xFFFFC400;
	(pc) =	sbr.rel @!p0 .LBB2_2-.Ltmp2, $4  }
0x35: {  	[tilespmem:s17], [sflag:$0x3] =	stream.linear.gather [hbm4b:s4+s3], $0x3C00, $0x38;
	[tilespmem:$0x18480] =	vst v63  }
0x36: {  	_ =	swait.ge [sflag:s16], $0x3C00  }
0x37: {  	[sflag:s16] =	ssyncset.done $0x0  }
0x38: {  	[sflag:s16] =	ssyncadd.s32 $0xFFFFC400  }
.Ltmp3:
0x39: {  	(pc) =	sbr.rel .LBB2_3-.Ltmp3, $4  }
0x3a: {  	[tilespmem:s3], [sflag:$0x1] =	stream.linear.gather [hbm4b:s11+s3], $0xC80, $0x38;
	[tilespmem:$0x18480] =	vst v63  }
0x3b: {  	_ =	swait.ge [sflag:s18], $0xC80  }
0x3c: {  	[sflag:s18] =	ssyncset.done $0x0  }
0x3d: {  	p3 =	por $0x0, $0x0;
	[sflag:s18] =	ssyncadd.s32 $0xFFFFF380  }
.LBB2_2:
0x3e: {  	[tilespmem:s3], [sflag:$0x1] =	stream.linear.gather [hbm4b:s8+s3], $0xC00, $0x38;
	[tilespmem:$0x18480] =	vst v63  }
0x3f: {  	s25 =	simm.s32 @!p2 $0x0;
	s26 =	simm.s32 @!p2 $0xC00  }
0x40: {  	[tilespmem:s26], [sflag:$0x3] =	stream.linear.gather @!p2 [hbm4b:s9+s25], $0x20, $0x38;
	[tilespmem:$0x18480] =	vst v63  }
0x41: {  	s25 =	simm.s32 @!p2 $0x3  }
0x42: {  	_ =	swait.ge @!p2 [sflag:s25], $0x20  }
0x43: {  	[sflag:s25] =	ssyncset.done @!p2 $0x0  }
0x44: {  	[sflag:s25] =	ssyncadd.s32 @!p2 $0xFFFFFFE0  }
0x45: {  	_ =	swait.ge [sflag:s18], $0xC00  }
0x46: {  	[sflag:s18] =	ssyncset.done $0x0  }
0x47: {  	p3 =	por p1, p1;
	[sflag:s18] =	ssyncadd.s32 $0xFFFFF400  }
.LBB2_3:
0x48: {  	s25 =	simm.s32 $0x0  }
.LBB2_4:
0x49: {  	p4 =	slt.u32 s25, $0x2  }
0x4a: {  	s26 =	simm.s32 @!p4 $0x2  }
0x4b: {  	_ =	swait.ge @!p4 [sflag:s26], $0x4000  }
0x4c: {  	[sflag:s26] =	ssyncset.done @!p4 $0x0  }
0x4d: {  	[sflag:s26] =	ssyncadd.s32 @!p4 $0xFFFFC000  }
0x4e: {  	_ =	swait.ge @!p4 [sflag:s26], $0x4000  }
0x4f: {  	s28 =	sshll.u32 s25, $0x9;
	[sflag:s26] =	ssyncset.done @!p4 $0x0  }
0x50: {  	s30 =	sshra.s32 s28, $0x2;
	[sflag:s26] =	ssyncadd.s32 @!p4 $0xFFFFC000  }
0x51: {  	v9 =	vld [tilespmem:s30+$0x0]  }
0x52: {  	v10 =	vld [tilespmem:s30+$0x10]  }
0x53: {  	v11 =	vld [tilespmem:s30+$0x20]  }
0x54: {  	v12 =	vld [tilespmem:s30+$0x30]  }
0x55: {  	v13 =	vld [tilespmem:s30+$0x40]  }
0x56: {  	v14 =	vld [tilespmem:s30+$0x50]  }
0x57: {  	v15 =	vld [tilespmem:s30+$0x60]  }
0x58: {  	v16 =	vld [tilespmem:s30+$0x70];
	_ =	sdelay $0x2  }
0x59: {  	s31 =	sshll.u32 s25, $0xE;
	v9 =	vshll.u32 v9, $0x7;
	v10 =	vshll.u32 v10, $0x7  }
0x5a: {  	s26 =	sand.u32 $0x4000, s31;
	v11 =	vshll.u32 v11, $0x7;
	v12 =	vshll.u32 v12, $0x7;
	v13 =	vshll.u32 v13, $0x7  }
0x5b: {  	s29 =	simm.s32 $0x0;
	s28 =	sor.u32 $0x8480, s26;
	s26 =	sor.u32 $0x10480, s26;
	v14 =	vshll.u32 v14, $0x7;
	v15 =	vshll.u32 v15, $0x7;
	v16 =	vshll.u32 v16, $0x7  }
.LBB2_5:
0x5c: {  	v17 =	vadd.s32 s29, v0  }
0x5d: {  	v17 =	vand.u32 $0x7F, v17  }
0x5e: {  	v19 =	vor.u32 v9, v17;
	_ =	sdelay $0x3  }
0x5f: {  	s30 =	sadd.s32 $0x1, s29  }
0x60: {  	v18 =	vadd.s32 s30, v0;
	v22 =	vor.u32 v1, v17;
	v21 =	vld.idx.msk [tilespmem:v19+s15+$0x0], $0xffff  }
0x61: {  	v18 =	vand.u32 $0x7F, v18  }
0x62: {  	v20 =	vor.u32 v9, v18;
	_ =	sdelay $0x2  }
0x63: {  	[tilespmem:v22+s28+$0x0] =	vst.idx.msk $0xffff, v21  }
0x64: {  	v19 =	vld.idx.msk [tilespmem:v19+s17+$0x0], $0xffff  }
0x65: {  	v56 =	vor.u32 v10, v17;
	v24 =	vor.u32 v1, v18;
	v23 =	vld.idx.msk [tilespmem:v20+s15+$0x0], $0xffff;
	_ =	sdelay $0x3  }
0x66: {  	[tilespmem:v22+s26+$0x0] =	vst.idx.msk $0xffff, v19  }
0x67: {  	v58 =	vor.u32 v2, v17;
	[tilespmem:v24+s28+$0x0] =	vst.idx.msk $0xffff, v23;
	v19 =	vld.idx.msk [tilespmem:v56+s15+$0x0], $0xffff  }
0x68: {  	v20 =	vld.idx.msk [tilespmem:v20+s17+$0x0], $0xffff  }
0x69: {  	v57 =	vor.u32 v10, v18;
	_ =	sdelay $0x2  }
0x6a: {  	[tilespmem:v58+s28+$0x0] =	vst.idx.msk $0xffff, v19  }
0x6b: {  	[tilespmem:v24+s26+$0x0] =	vst.idx.msk $0xffff, v20;
	v19 =	vld.idx.msk [tilespmem:v56+s17+$0x0], $0xffff  }
0x6c: {  	v60 =	vor.u32 v11, v17;
	v59 =	vor.u32 v2, v18;
	v20 =	vld.idx.msk [tilespmem:v57+s15+$0x0], $0xffff;
	_ =	sdelay $0x3  }
0x6d: {  	[tilespmem:v58+s26+$0x0] =	vst.idx.msk $0xffff, v19  }
0x6e: {  	v63 =	vor.u32 v3, v17;
	[tilespmem:v59+s28+$0x0] =	vst.idx.msk $0xffff, v20;
	v19 =	vld.idx.msk [tilespmem:v60+s15+$0x0], $0xffff  }
0x6f: {  	v61 =	vld.idx.msk [tilespmem:v57+s17+$0x0], $0xffff  }
0x70: {  	v62 =	vor.u32 v11, v18;
	_ =	sdelay $0x2  }
0x71: {  	[tilespmem:v63+s28+$0x0] =	vst.idx.msk $0xffff, v19  }
0x72: {  	[tilespmem:v59+s26+$0x0] =	vst.idx.msk $0xffff, v61;
	v19 =	vld.idx.msk [tilespmem:v60+s17+$0x0], $0xffff  }
0x73: {  	v29 =	vor.u32 v12, v17;
	v28 =	vor.u32 v3, v18;
	v21 =	vld.idx.msk [tilespmem:v62+s15+$0x0], $0xffff;
	_ =	sdelay $0x3  }
0x74: {  	[tilespmem:v63+s26+$0x0] =	vst.idx.msk $0xffff, v19  }
0x75: {  	v31 =	vor.u32 v4, v17;
	[tilespmem:v28+s28+$0x0] =	vst.idx.msk $0xffff, v21;
	v19 =	vld.idx.msk [tilespmem:v29+s15+$0x0], $0xffff  }
0x76: {  	v21 =	vld.idx.msk [tilespmem:v62+s17+$0x0], $0xffff  }
0x77: {  	v30 =	vor.u32 v12, v18;
	_ =	sdelay $0x2  }
0x78: {  	[tilespmem:v31+s28+$0x0] =	vst.idx.msk $0xffff, v19  }
0x79: {  	[tilespmem:v28+s26+$0x0] =	vst.idx.msk $0xffff, v21;
	v19 =	vld.idx.msk [tilespmem:v29+s17+$0x0], $0xffff  }
0x7a: {  	v33 =	vor.u32 v13, v17;
	v32 =	vor.u32 v4, v18;
	v21 =	vld.idx.msk [tilespmem:v30+s15+$0x0], $0xffff;
	_ =	sdelay $0x3  }
0x7b: {  	[tilespmem:v31+s26+$0x0] =	vst.idx.msk $0xffff, v19  }
0x7c: {  	v35 =	vor.u32 v5, v17;
	[tilespmem:v32+s28+$0x0] =	vst.idx.msk $0xffff, v21;
	v19 =	vld.idx.msk [tilespmem:v33+s15+$0x0], $0xffff  }
0x7d: {  	v21 =	vld.idx.msk [tilespmem:v30+s17+$0x0], $0xffff  }
0x7e: {  	v34 =	vor.u32 v13, v18;
	_ =	sdelay $0x2  }
0x7f: {  	[tilespmem:v35+s28+$0x0] =	vst.idx.msk $0xffff, v19  }
0x80: {  	[tilespmem:v32+s26+$0x0] =	vst.idx.msk $0xffff, v21;
	v19 =	vld.idx.msk [tilespmem:v33+s17+$0x0], $0xffff  }
0x81: {  	v37 =	vor.u32 v14, v17;
	v36 =	vor.u32 v5, v18;
	v21 =	vld.idx.msk [tilespmem:v34+s15+$0x0], $0xffff;
	_ =	sdelay $0x3  }
0x82: {  	[tilespmem:v35+s26+$0x0] =	vst.idx.msk $0xffff, v19  }
0x83: {  	v39 =	vor.u32 v6, v17;
	[tilespmem:v36+s28+$0x0] =	vst.idx.msk $0xffff, v21;
	v19 =	vld.idx.msk [tilespmem:v37+s15+$0x0], $0xffff  }
0x84: {  	v21 =	vld.idx.msk [tilespmem:v34+s17+$0x0], $0xffff  }
0x85: {  	v38 =	vor.u32 v14, v18;
	_ =	sdelay $0x2  }
0x86: {  	[tilespmem:v39+s28+$0x0] =	vst.idx.msk $0xffff, v19  }
0x87: {  	[tilespmem:v36+s26+$0x0] =	vst.idx.msk $0xffff, v21;
	v19 =	vld.idx.msk [tilespmem:v37+s17+$0x0], $0xffff  }
0x88: {  	v41 =	vor.u32 v15, v17;
	v40 =	vor.u32 v6, v18;
	v21 =	vld.idx.msk [tilespmem:v38+s15+$0x0], $0xffff;
	_ =	sdelay $0x3  }
0x89: {  	[tilespmem:v39+s26+$0x0] =	vst.idx.msk $0xffff, v19  }
0x8a: {  	v43 =	vor.u32 v7, v17;
	[tilespmem:v40+s28+$0x0] =	vst.idx.msk $0xffff, v21;
	v19 =	vld.idx.msk [tilespmem:v41+s15+$0x0], $0xffff  }
0x8b: {  	v21 =	vld.idx.msk [tilespmem:v38+s17+$0x0], $0xffff  }
0x8c: {  	s31 =	sadd.s32 $0x2, s29;
	v45 =	vor.u32 v16, v17;
	v25 =	vor.u32 v8, v17;
	v42 =	vor.u32 v15, v18  }
0x8d: {  	v17 =	vadd.s32 s31, v0;
	s31 =	sadd.s32 $0x3, s29;
	v44 =	vor.u32 v7, v18;
	v47 =	vor.u32 v16, v18  }
0x8e: {  	v26 =	vor.u32 v8, v18;
	v17 =	vand.u32 $0x7F, v17;
	v18 =	vadd.s32 s31, v0  }
0x8f: {  	v27 =	vor.u32 v9, v17;
	v18 =	vand.u32 $0x7F, v18;
	[tilespmem:v43+s28+$0x0] =	vst.idx.msk $0xffff, v19  }
0x90: {  	v28 =	vor.u32 v9, v18;
	[tilespmem:v40+s26+$0x0] =	vst.idx.msk $0xffff, v21;
	v19 =	vld.idx.msk [tilespmem:v41+s17+$0x0], $0xffff  }
0x91: {  	v21 =	vld.idx.msk [tilespmem:v42+s15+$0x0], $0xffff;
	_ =	sdelay $0x2  }
0x92: {  	v32 =	vld.idx.msk [tilespmem:v27+s15+$0x0], $0xffff;
	v33 =	vor.u32 v1, v17  }
0x93: {  	v35 =	vld.idx.msk [tilespmem:v28+s15+$0x0], $0xffff;
	v36 =	vor.u32 v1, v18;
	[tilespmem:v43+s26+$0x0] =	vst.idx.msk $0xffff, v19  }
0x94: {  	s31 =	sadd.s32 $0x4, s29;
	[tilespmem:v44+s28+$0x0] =	vst.idx.msk $0xffff, v21;
	v22 =	vld.idx.msk [tilespmem:v45+s15+$0x0], $0xffff  }
0x95: {  	v46 =	vld.idx.msk [tilespmem:v42+s17+$0x0], $0xffff;
	v19 =	vadd.s32 s31, v0;
	s31 =	sadd.s32 $0x5, s29  }
0x96: {  	v19 =	vand.u32 $0x7F, v19;
	v48 =	vadd.s32 s31, v0;
	s31 =	sadd.s32 $0x6, s29  }
0x97: {  	[tilespmem:v33+s28+$0x0] =	vst.idx.msk $0xffff, v32;
	v29 =	vor.u32 v9, v19;
	v20 =	vand.u32 $0x7F, v48;
	v49 =	vadd.s32 s31, v0;
	s31 =	sadd.s32 $0x7, s29  }
0x98: {  	[tilespmem:v36+s28+$0x0] =	vst.idx.msk $0xffff, v35;
	v50 =	vor.u32 v9, v20;
	v21 =	vand.u32 $0x7F, v49;
	v51 =	vadd.s32 s31, v0  }
0x99: {  	v27 =	vld.idx.msk [tilespmem:v27+s17+$0x0], $0xffff;
	v31 =	vor.u32 v9, v21;
	[tilespmem:v25+s28+$0x0] =	vst.idx.msk $0xffff, v22;
	v22 =	vand.u32 $0x7F, v51  }
0x9a: {  	v28 =	vld.idx.msk [tilespmem:v28+s17+$0x0], $0xffff;
	[tilespmem:v44+s26+$0x0] =	vst.idx.msk $0xffff, v46;
	v34 =	vor.u32 v9, v22  }
0x9b: {  	v57 =	vor.u32 v10, v17;
	v24 =	vld.idx.msk [tilespmem:v47+s15+$0x0], $0xffff  }
0x9c: {  	v38 =	vor.u32 v1, v19;
	v37 =	vld.idx.msk [tilespmem:v29+s15+$0x0], $0xffff  }
0x9d: {  	v53 =	vor.u32 v1, v20;
	v52 =	vld.idx.msk [tilespmem:v50+s15+$0x0], $0xffff  }
0x9e: {  	[tilespmem:v33+s26+$0x0] =	vst.idx.msk $0xffff, v27;
	v55 =	vor.u32 v1, v21;
	v54 =	vld.idx.msk [tilespmem:v31+s15+$0x0], $0xffff  }
0x9f: {  	[tilespmem:v36+s26+$0x0] =	vst.idx.msk $0xffff, v28;
	v39 =	vor.u32 v1, v22;
	v56 =	vld.idx.msk [tilespmem:v34+s15+$0x0], $0xffff  }
0xa0: {  	v62 =	vor.u32 v2, v17;
	v33 =	vld.idx.msk [tilespmem:v57+s15+$0x0], $0xffff;
	[tilespmem:v26+s28+$0x0] =	vst.idx.msk $0xffff, v24  }
0xa1: {  	v58 =	vor.u32 v10, v18;
	v30 =	vld.idx.msk [tilespmem:v45+s17+$0x0], $0xffff;
	[tilespmem:v38+s28+$0x0] =	vst.idx.msk $0xffff, v37  }
0xa2: {  	v29 =	vld.idx.msk [tilespmem:v29+s17+$0x0], $0xffff;
	[tilespmem:v53+s28+$0x0] =	vst.idx.msk $0xffff, v52  }
0xa3: {  	v59 =	vor.u32 v10, v19;
	v24 =	vld.idx.msk [tilespmem:v50+s17+$0x0], $0xffff;
	[tilespmem:v55+s28+$0x0] =	vst.idx.msk $0xffff, v54  }
0xa4: {  	v60 =	vor.u32 v10, v20;
	v31 =	vld.idx.msk [tilespmem:v31+s17+$0x0], $0xffff;
	[tilespmem:v39+s28+$0x0] =	vst.idx.msk $0xffff, v56  }
0xa5: {  	[tilespmem:v62+s28+$0x0] =	vst.idx.msk $0xffff, v33;
	v61 =	vor.u32 v10, v21;
	v32 =	vld.idx.msk [tilespmem:v34+s17+$0x0], $0xffff  }
0xa6: {  	v36 =	vld.idx.msk [tilespmem:v58+s15+$0x0], $0xffff;
	v42 =	vor.u32 v2, v18;
	v63 =	vor.u32 v10, v22;
	[tilespmem:v25+s26+$0x0] =	vst.idx.msk $0xffff, v30  }
0xa7: {  	v23 =	vld.idx.msk [tilespmem:v47+s17+$0x0], $0xffff;
	[tilespmem:v38+s26+$0x0] =	vst.idx.msk $0xffff, v29  }
0xa8: {  	v43 =	vor.u32 v2, v19;
	v38 =	vld.idx.msk [tilespmem:v59+s15+$0x0], $0xffff;
	[tilespmem:v53+s26+$0x0] =	vst.idx.msk $0xffff, v24  }
0xa9: {  	v44 =	vor.u32 v2, v20;
	v30 =	vld.idx.msk [tilespmem:v60+s15+$0x0], $0xffff;
	[tilespmem:v55+s26+$0x0] =	vst.idx.msk $0xffff, v31  }
0xaa: {  	v45 =	vor.u32 v2, v21;
	v31 =	vld.idx.msk [tilespmem:v61+s15+$0x0], $0xffff;
	[tilespmem:v39+s26+$0x0] =	vst.idx.msk $0xffff, v32  }
0xab: {  	[tilespmem:v42+s28+$0x0] =	vst.idx.msk $0xffff, v36;
	v47 =	vor.u32 v2, v22;
	v46 =	vld.idx.msk [tilespmem:v63+s15+$0x0], $0xffff  }
0xac: {  	v35 =	vld.idx.msk [tilespmem:v57+s17+$0x0], $0xffff;
	[tilespmem:v26+s26+$0x0] =	vst.idx.msk $0xffff, v23  }
0xad: {  	v48 =	vor.u32 v11, v17;
	v37 =	vld.idx.msk [tilespmem:v58+s17+$0x0], $0xffff;
	[tilespmem:v43+s28+$0x0] =	vst.idx.msk $0xffff, v38  }
0xae: {  	v49 =	vor.u32 v11, v18;
	v25 =	vld.idx.msk [tilespmem:v59+s17+$0x0], $0xffff;
	[tilespmem:v44+s28+$0x0] =	vst.idx.msk $0xffff, v30  }
0xaf: {  	v50 =	vor.u32 v11, v19;
	v23 =	vld.idx.msk [tilespmem:v60+s17+$0x0], $0xffff;
	[tilespmem:v45+s28+$0x0] =	vst.idx.msk $0xffff, v31  }
0xb0: {  	v51 =	vor.u32 v11, v20;
	v27 =	vld.idx.msk [tilespmem:v61+s17+$0x0], $0xffff;
	[tilespmem:v47+s28+$0x0] =	vst.idx.msk $0xffff, v46  }
0xb1: {  	[tilespmem:v62+s26+$0x0] =	vst.idx.msk $0xffff, v35;
	v52 =	vor.u32 v11, v21;
	v28 =	vld.idx.msk [tilespmem:v63+s17+$0x0], $0xffff  }
0xb2: {  	v54 =	vor.u32 v11, v22;
	[tilespmem:v42+s26+$0x0] =	vst.idx.msk $0xffff, v37;
	v34 =	vld.idx.msk [tilespmem:v48+s15+$0x0], $0xffff;
	v53 =	vor.u32 v3, v17  }
0xb3: {  	v37 =	vld.idx.msk [tilespmem:v49+s15+$0x0], $0xffff;
	v55 =	vor.u32 v3, v18;
	[tilespmem:v43+s26+$0x0] =	vst.idx.msk $0xffff, v25  }
0xb4: {  	v56 =	vor.u32 v3, v19;
	v25 =	vld.idx.msk [tilespmem:v50+s15+$0x0], $0xffff;
	[tilespmem:v44+s26+$0x0] =	vst.idx.msk $0xffff, v23  }
0xb5: {  	v57 =	vor.u32 v3, v20;
	v26 =	vld.idx.msk [tilespmem:v51+s15+$0x0], $0xffff;
	[tilespmem:v45+s26+$0x0] =	vst.idx.msk $0xffff, v27  }
0xb6: {  	v58 =	vor.u32 v3, v21;
	v32 =	vld.idx.msk [tilespmem:v52+s15+$0x0], $0xffff;
	[tilespmem:v47+s26+$0x0] =	vst.idx.msk $0xffff, v28  }
0xb7: {  	[tilespmem:v53+s28+$0x0] =	vst.idx.msk $0xffff, v34;
	v60 =	vor.u32 v3, v22;
	v59 =	vld.idx.msk [tilespmem:v54+s15+$0x0], $0xffff  }
0xb8: {  	v36 =	vld.idx.msk [tilespmem:v48+s17+$0x0], $0xffff;
	[tilespmem:v55+s28+$0x0] =	vst.idx.msk $0xffff, v37  }
0xb9: {  	v38 =	vld.idx.msk [tilespmem:v49+s17+$0x0], $0xffff;
	v61 =	vor.u32 v12, v17;
	[tilespmem:v56+s28+$0x0] =	vst.idx.msk $0xffff, v25  }
0xba: {  	v62 =	vor.u32 v12, v18;
	v30 =	vld.idx.msk [tilespmem:v50+s17+$0x0], $0xffff;
	[tilespmem:v57+s28+$0x0] =	vst.idx.msk $0xffff, v26  }
0xbb: {  	v63 =	vor.u32 v12, v19;
	v31 =	vld.idx.msk [tilespmem:v51+s17+$0x0], $0xffff;
	[tilespmem:v58+s28+$0x0] =	vst.idx.msk $0xffff, v32  }
0xbc: {  	v42 =	vor.u32 v12, v20;
	v33 =	vld.idx.msk [tilespmem:v52+s17+$0x0], $0xffff;
	[tilespmem:v60+s28+$0x0] =	vst.idx.msk $0xffff, v59  }
0xbd: {  	[tilespmem:v53+s26+$0x0] =	vst.idx.msk $0xffff, v36;
	v43 =	vor.u32 v12, v21;
	v29 =	vld.idx.msk [tilespmem:v54+s17+$0x0], $0xffff  }
0xbe: {  	v44 =	vor.u32 v4, v17;
	[tilespmem:v55+s26+$0x0] =	vst.idx.msk $0xffff, v38;
	v35 =	vld.idx.msk [tilespmem:v61+s15+$0x0], $0xffff;
	v45 =	vor.u32 v12, v22  }
0xbf: {  	v46 =	vor.u32 v4, v18;
	v38 =	vld.idx.msk [tilespmem:v62+s15+$0x0], $0xffff;
	[tilespmem:v56+s26+$0x0] =	vst.idx.msk $0xffff, v30  }
0xc0: {  	v47 =	vor.u32 v4, v19;
	v30 =	vld.idx.msk [tilespmem:v63+s15+$0x0], $0xffff;
	[tilespmem:v57+s26+$0x0] =	vst.idx.msk $0xffff, v31  }
0xc1: {  	v48 =	vor.u32 v4, v20;
	v31 =	vld.idx.msk [tilespmem:v42+s15+$0x0], $0xffff;
	[tilespmem:v58+s26+$0x0] =	vst.idx.msk $0xffff, v33  }
0xc2: {  	v49 =	vor.u32 v4, v21;
	v33 =	vld.idx.msk [tilespmem:v43+s15+$0x0], $0xffff;
	[tilespmem:v60+s26+$0x0] =	vst.idx.msk $0xffff, v29  }
0xc3: {  	[tilespmem:v44+s28+$0x0] =	vst.idx.msk $0xffff, v35;
	v51 =	vor.u32 v4, v22;
	v50 =	vld.idx.msk [tilespmem:v45+s15+$0x0], $0xffff  }
0xc4: {  	[tilespmem:v46+s28+$0x0] =	vst.idx.msk $0xffff, v38;
	v37 =	vld.idx.msk [tilespmem:v61+s17+$0x0], $0xffff  }
0xc5: {  	v25 =	vld.idx.msk [tilespmem:v62+s17+$0x0], $0xffff;
	v52 =	vor.u32 v13, v17;
	[tilespmem:v47+s28+$0x0] =	vst.idx.msk $0xffff, v30  }
0xc6: {  	v53 =	vor.u32 v13, v18;
	v26 =	vld.idx.msk [tilespmem:v63+s17+$0x0], $0xffff;
	[tilespmem:v48+s28+$0x0] =	vst.idx.msk $0xffff, v31  }
0xc7: {  	v54 =	vor.u32 v13, v19;
	v32 =	vld.idx.msk [tilespmem:v42+s17+$0x0], $0xffff;
	[tilespmem:v49+s28+$0x0] =	vst.idx.msk $0xffff, v33  }
0xc8: {  	v55 =	vor.u32 v13, v20;
	v34 =	vld.idx.msk [tilespmem:v43+s17+$0x0], $0xffff;
	[tilespmem:v51+s28+$0x0] =	vst.idx.msk $0xffff, v50  }
0xc9: {  	v56 =	vor.u32 v13, v21;
	[tilespmem:v44+s26+$0x0] =	vst.idx.msk $0xffff, v37;
	v24 =	vld.idx.msk [tilespmem:v45+s17+$0x0], $0xffff  }
0xca: {  	v57 =	vor.u32 v5, v17;
	[tilespmem:v46+s26+$0x0] =	vst.idx.msk $0xffff, v25;
	v36 =	vld.idx.msk [tilespmem:v52+s15+$0x0], $0xffff;
	v58 =	vor.u32 v13, v22  }
0xcb: {  	v59 =	vor.u32 v5, v18;
	v25 =	vld.idx.msk [tilespmem:v53+s15+$0x0], $0xffff;
	[tilespmem:v47+s26+$0x0] =	vst.idx.msk $0xffff, v26  }
0xcc: {  	v60 =	vor.u32 v5, v19;
	v27 =	vld.idx.msk [tilespmem:v54+s15+$0x0], $0xffff;
	[tilespmem:v48+s26+$0x0] =	vst.idx.msk $0xffff, v32  }
0xcd: {  	v61 =	vor.u32 v5, v20;
	v32 =	vld.idx.msk [tilespmem:v55+s15+$0x0], $0xffff;
	[tilespmem:v49+s26+$0x0] =	vst.idx.msk $0xffff, v34  }
0xce: {  	v62 =	vor.u32 v5, v21;
	v34 =	vld.idx.msk [tilespmem:v56+s15+$0x0], $0xffff;
	[tilespmem:v51+s26+$0x0] =	vst.idx.msk $0xffff, v24  }
0xcf: {  	[tilespmem:v57+s28+$0x0] =	vst.idx.msk $0xffff, v36;
	v42 =	vor.u32 v5, v22;
	v63 =	vld.idx.msk [tilespmem:v58+s15+$0x0], $0xffff  }
0xd0: {  	[tilespmem:v59+s28+$0x0] =	vst.idx.msk $0xffff, v25;
	v38 =	vld.idx.msk [tilespmem:v52+s17+$0x0], $0xffff  }
0xd1: {  	v30 =	vld.idx.msk [tilespmem:v53+s17+$0x0], $0xffff;
	v43 =	vor.u32 v14, v17;
	[tilespmem:v60+s28+$0x0] =	vst.idx.msk $0xffff, v27  }
0xd2: {  	v44 =	vor.u32 v14, v18;
	v31 =	vld.idx.msk [tilespmem:v54+s17+$0x0], $0xffff;
	[tilespmem:v61+s28+$0x0] =	vst.idx.msk $0xffff, v32  }
0xd3: {  	v45 =	vor.u32 v14, v19;
	v33 =	vld.idx.msk [tilespmem:v55+s17+$0x0], $0xffff;
	[tilespmem:v62+s28+$0x0] =	vst.idx.msk $0xffff, v34  }
0xd4: {  	v46 =	vor.u32 v14, v20;
	v35 =	vld.idx.msk [tilespmem:v56+s17+$0x0], $0xffff;
	[tilespmem:v42+s28+$0x0] =	vst.idx.msk $0xffff, v63  }
0xd5: {  	v47 =	vor.u32 v14, v21;
	[tilespmem:v57+s26+$0x0] =	vst.idx.msk $0xffff, v38;
	v23 =	vld.idx.msk [tilespmem:v58+s17+$0x0], $0xffff  }
0xd6: {  	v48 =	vor.u32 v6, v17;
	[tilespmem:v59+s26+$0x0] =	vst.idx.msk $0xffff, v30;
	v37 =	vld.idx.msk [tilespmem:v43+s15+$0x0], $0xffff;
	v49 =	vor.u32 v14, v22  }
0xd7: {  	v50 =	vor.u32 v6, v18;
	v30 =	vld.idx.msk [tilespmem:v44+s15+$0x0], $0xffff;
	[tilespmem:v60+s26+$0x0] =	vst.idx.msk $0xffff, v31  }
0xd8: {  	v51 =	vor.u32 v6, v19;
	v31 =	vld.idx.msk [tilespmem:v45+s15+$0x0], $0xffff;
	[tilespmem:v61+s26+$0x0] =	vst.idx.msk $0xffff, v33  }
0xd9: {  	v52 =	vor.u32 v6, v20;
	v33 =	vld.idx.msk [tilespmem:v46+s15+$0x0], $0xffff;
	[tilespmem:v62+s26+$0x0] =	vst.idx.msk $0xffff, v35  }
0xda: {  	v53 =	vor.u32 v6, v21;
	v35 =	vld.idx.msk [tilespmem:v47+s15+$0x0], $0xffff;
	[tilespmem:v42+s26+$0x0] =	vst.idx.msk $0xffff, v23  }
0xdb: {  	[tilespmem:v48+s28+$0x0] =	vst.idx.msk $0xffff, v37;
	v55 =	vor.u32 v6, v22;
	v54 =	vld.idx.msk [tilespmem:v49+s15+$0x0], $0xffff  }
0xdc: {  	[tilespmem:v50+s28+$0x0] =	vst.idx.msk $0xffff, v30;
	v25 =	vld.idx.msk [tilespmem:v43+s17+$0x0], $0xffff  }
0xdd: {  	v27 =	vld.idx.msk [tilespmem:v44+s17+$0x0], $0xffff;
	v56 =	vor.u32 v15, v17;
	[tilespmem:v51+s28+$0x0] =	vst.idx.msk $0xffff, v31  }
0xde: {  	v57 =	vor.u32 v15, v18;
	v32 =	vld.idx.msk [tilespmem:v45+s17+$0x0], $0xffff;
	[tilespmem:v52+s28+$0x0] =	vst.idx.msk $0xffff, v33  }
0xdf: {  	v58 =	vor.u32 v15, v19;
	v34 =	vld.idx.msk [tilespmem:v46+s17+$0x0], $0xffff;
	[tilespmem:v53+s28+$0x0] =	vst.idx.msk $0xffff, v35  }
0xe0: {  	v59 =	vor.u32 v15, v20;
	v36 =	vld.idx.msk [tilespmem:v47+s17+$0x0], $0xffff;
	[tilespmem:v55+s28+$0x0] =	vst.idx.msk $0xffff, v54  }
0xe1: {  	v60 =	vor.u32 v15, v21;
	[tilespmem:v48+s26+$0x0] =	vst.idx.msk $0xffff, v25;
	v26 =	vld.idx.msk [tilespmem:v49+s17+$0x0], $0xffff  }
0xe2: {  	v63 =	vor.u32 v15, v22;
	[tilespmem:v50+s26+$0x0] =	vst.idx.msk $0xffff, v27;
	v61 =	vld.idx.msk [tilespmem:v56+s15+$0x0], $0xffff;
	v62 =	vor.u32 v7, v17  }
0xe3: {  	v28 =	vld.idx.msk [tilespmem:v57+s15+$0x0], $0xffff;
	v42 =	vor.u32 v7, v18;
	[tilespmem:v51+s26+$0x0] =	vst.idx.msk $0xffff, v32  }
0xe4: {  	v43 =	vor.u32 v7, v19;
	v32 =	vld.idx.msk [tilespmem:v58+s15+$0x0], $0xffff;
	[tilespmem:v52+s26+$0x0] =	vst.idx.msk $0xffff, v34  }
0xe5: {  	v44 =	vor.u32 v7, v20;
	v34 =	vld.idx.msk [tilespmem:v59+s15+$0x0], $0xffff;
	[tilespmem:v53+s26+$0x0] =	vst.idx.msk $0xffff, v36  }
0xe6: {  	v45 =	vor.u32 v7, v21;
	v36 =	vld.idx.msk [tilespmem:v60+s15+$0x0], $0xffff;
	[tilespmem:v55+s26+$0x0] =	vst.idx.msk $0xffff, v26  }
0xe7: {  	[tilespmem:v62+s28+$0x0] =	vst.idx.msk $0xffff, v61;
	v47 =	vor.u32 v7, v22;
	v46 =	vld.idx.msk [tilespmem:v63+s15+$0x0], $0xffff  }
0xe8: {  	v48 =	vld.idx.msk [tilespmem:v56+s17+$0x0], $0xffff;
	[tilespmem:v42+s28+$0x0] =	vst.idx.msk $0xffff, v28  }
0xe9: {  	v31 =	vld.idx.msk [tilespmem:v57+s17+$0x0], $0xffff;
	v49 =	vor.u32 v16, v17;
	[tilespmem:v43+s28+$0x0] =	vst.idx.msk $0xffff, v32  }
0xea: {  	v50 =	vor.u32 v16, v18;
	[tilespmem:v44+s28+$0x0] =	vst.idx.msk $0xffff, v34;
	v33 =	vld.idx.msk [tilespmem:v58+s17+$0x0], $0xffff  }
0xeb: {  	v51 =	vor.u32 v16, v19;
	[tilespmem:v45+s28+$0x0] =	vst.idx.msk $0xffff, v36;
	v35 =	vld.idx.msk [tilespmem:v59+s17+$0x0], $0xffff  }
0xec: {  	v52 =	vor.u32 v16, v20;
	v25 =	vld.idx.msk [tilespmem:v60+s17+$0x0], $0xffff;
	[tilespmem:v47+s28+$0x0] =	vst.idx.msk $0xffff, v46  }
0xed: {  	[tilespmem:v62+s26+$0x0] =	vst.idx.msk $0xffff, v48;
	v53 =	vor.u32 v16, v21;
	v27 =	vld.idx.msk [tilespmem:v63+s17+$0x0], $0xffff  }
0xee: {  	v17 =	vor.u32 v8, v17;
	[tilespmem:v42+s26+$0x0] =	vst.idx.msk $0xffff, v31;
	v54 =	vld.idx.msk [tilespmem:v49+s15+$0x0], $0xffff;
	v55 =	vor.u32 v16, v22  }
0xef: {  	v18 =	vor.u32 v8, v18;
	v56 =	vld.idx.msk [tilespmem:v50+s15+$0x0], $0xffff;
	[tilespmem:v43+s26+$0x0] =	vst.idx.msk $0xffff, v33  }
0xf0: {  	v19 =	vor.u32 v8, v19;
	[tilespmem:v44+s26+$0x0] =	vst.idx.msk $0xffff, v35;
	v57 =	vld.idx.msk [tilespmem:v51+s15+$0x0], $0xffff  }
0xf1: {  	v20 =	vor.u32 v8, v20;
	[tilespmem:v45+s26+$0x0] =	vst.idx.msk $0xffff, v25;
	v58 =	vld.idx.msk [tilespmem:v52+s15+$0x0], $0xffff  }
0xf2: {  	v21 =	vor.u32 v8, v21;
	v26 =	vld.idx.msk [tilespmem:v53+s15+$0x0], $0xffff;
	[tilespmem:v47+s26+$0x0] =	vst.idx.msk $0xffff, v27  }
0xf3: {  	v22 =	vor.u32 v8, v22;
	[tilespmem:v17+s28+$0x0] =	vst.idx.msk $0xffff, v54;
	v27 =	vld.idx.msk [tilespmem:v55+s15+$0x0], $0xffff  }
0xf4: {  	[tilespmem:v18+s28+$0x0] =	vst.idx.msk $0xffff, v56;
	v59 =	vld.idx.msk [tilespmem:v49+s17+$0x0], $0xffff  }
0xf5: {  	v60 =	vld.idx.msk [tilespmem:v50+s17+$0x0], $0xffff;
	[tilespmem:v19+s28+$0x0] =	vst.idx.msk $0xffff, v57  }
0xf6: {  	[tilespmem:v20+s28+$0x0] =	vst.idx.msk $0xffff, v58;
	v61 =	vld.idx.msk [tilespmem:v51+s17+$0x0], $0xffff  }
0xf7: {  	[tilespmem:v21+s28+$0x0] =	vst.idx.msk $0xffff, v26;
	v62 =	vld.idx.msk [tilespmem:v52+s17+$0x0], $0xffff  }
0xf8: {  	v63 =	vld.idx.msk [tilespmem:v53+s17+$0x0], $0xffff;
	[tilespmem:v22+s28+$0x0] =	vst.idx.msk $0xffff, v27  }
0xf9: {  	p4 =	slt.u32 s29, $0x78;
	[tilespmem:v17+s26+$0x0] =	vst.idx.msk $0xffff, v59;
	v17 =	vld.idx.msk [tilespmem:v55+s17+$0x0], $0xffff  }
.Ltmp4:
0xfa: {  	[tilespmem:v18+s26+$0x0] =	vst.idx.msk $0xffff, v60;
	(pc) =	sbr.rel @p4 .LBB2_5-.Ltmp4, $4  }
0xfb: {  	[tilespmem:v19+s26+$0x0] =	vst.idx.msk $0xffff, v61  }
0xfc: {  	[tilespmem:v20+s26+$0x0] =	vst.idx.msk $0xffff, v62  }
0xfd: {  	[tilespmem:v21+s26+$0x0] =	vst.idx.msk $0xffff, v63  }
0xfe: {  	s29 =	sadd.s32 $0x8, s29;
	[tilespmem:v22+s26+$0x0] =	vst.idx.msk $0xffff, v17  }
0xff: {  	s29 =	sadd.s32 s7, s25;
	s25 =	sadd.s32 $0x1, s25  }
0x100: {  	s29 =	sshll.u32 s29, $0xC;
	p4 =	sne.s32 s25, s6  }
.Ltmp5:
0x101: {  	s29 =	sand.u32 $0x1FFFF000, s29;
	(pc) =	sbr.rel @p4 .LBB2_4-.Ltmp5, $4  }
0x102: {  	s30 =	sadd.s32 s5, s29  }
0x103: {  	[hbm4b:s30+s19] =	stream.strided.scatter [tilespmem:s28], [sflag:$0x2], $0x4000, s20, s19, $0x38;
	[tilespmem:$0x18480] =	vst v63  }
0x104: {  	s31 =	sadd.s32 s29, s10  }
0x105: {  	[hbm4b:s31+s19] =	stream.strided.scatter [tilespmem:s26], [sflag:$0x2], $0x4000, s20, s19, $0x38;
	[tilespmem:$0x18480] =	vst v63  }
0x106: {  	_ =	swait.ge [sflag:s21], $0x4000  }
0x107: {  	[sflag:s21] =	ssyncset.done $0x0  }
0x108: {  	[sflag:s21] =	ssyncadd.s32 $0xFFFFC000  }
0x109: {  	_ =	swait.ge [sflag:s21], $0x4000  }
0x10a: {  	[sflag:s21] =	ssyncset.done $0x0  }
0x10b: {  	[sflag:s21] =	ssyncadd.s32 $0xFFFFC000  }
0x10c: {  	_ =	swait.ge [sflag:s21], $0x4000  }
.Ltmp6:
0x10d: {  	[sflag:s21] =	ssyncset.done $0x0;
	(pc) =	sbr.rel @!p3 .LBB2_11-.Ltmp6, $4  }
0x10e: {  	[sflag:s21] =	ssyncadd.s32 $0xFFFFC000  }
0x10f: {  	_ =	swait.ge [sflag:s21], $0x4000  }
0x110: {  	[sflag:s21] =	ssyncset.done $0x0  }
0x111: {  	[sflag:s21] =	ssyncadd.s32 $0xFFFFC000  }
0x112: {  	v9 =	vld [tilespmem:$0xC00];
	_ =	sdelay $0x1  }
0x113: {  	s25 =	simm.s32 $0x0  }
0x114: {  	s26 =	simm.s32 $0x1;
	v10 =	vadd.s32 s25, v0  }
0x115: {  	s28 =	simm.s32 $0x2;
	v11 =	vand.u32 $0x7F, v10;
	v10 =	vadd.s32 s26, v0  }
0x116: {  	s26 =	simm.s32 $0x4;
	v14 =	vand.u32 $0x7F, v10;
	v10 =	vadd.s32 s28, v0;
	v9 =	vshll.u32 v9, $0x7  }
0x117: {  	s29 =	simm.s32 $0x3;
	v21 =	vadd.s32 s26, v0;
	v16 =	vand.u32 $0x7F, v10;
	v12 =	vor.u32 v9, v11  }
0x118: {  	s26 =	simm.s32 $0xB;
	v10 =	vadd.s32 s29, v0;
	v21 =	vand.u32 $0x7F, v21;
	v15 =	vor.u32 v9, v14  }
0x119: {  	s30 =	simm.s32 $0x5;
	v53 =	vadd.s32 s26, v0;
	v18 =	vand.u32 $0x7F, v10;
	v17 =	vor.u32 v9, v16  }
0x11a: {  	s31 =	simm.s32 $0x6;
	v10 =	vadd.s32 s30, v0;
	v54 =	vand.u32 $0x7F, v53;
	v19 =	vor.u32 v9, v18  }
0x11b: {  	v20 =	vld [tilespmem:$0xC10];
	v13 =	vand.u32 $0x7F, v10;
	v10 =	vadd.s32 s31, v0;
	v26 =	vor.u32 v9, v21  }
0x11c: {  	s28 =	simm.s32 $0x7;
	v56 =	vor.u32 v9, v54;
	v23 =	vand.u32 $0x7F, v10;
	v10 =	vld.idx.msk [tilespmem:v12+s15+$0x0], $0xffff  }
0x11d: {  	v24 =	vadd.s32 s28, v0;
	v22 =	vor.u32 v9, v13;
	v28 =	vld.idx.msk [tilespmem:v15+s15+$0x0], $0xffff  }
0x11e: {  	v27 =	vor.u32 v1, v11;
	v24 =	vand.u32 $0x7F, v24;
	v25 =	vor.u32 v9, v23;
	v31 =	vld.idx.msk [tilespmem:v17+s15+$0x0], $0xffff  }
0x11f: {  	v30 =	vor.u32 v1, v14;
	v29 =	vor.u32 v9, v24;
	v33 =	vld.idx.msk [tilespmem:v19+s15+$0x0], $0xffff  }
0x120: {  	v32 =	vor.u32 v1, v16;
	v39 =	vld.idx.msk [tilespmem:v26+s15+$0x0], $0xffff  }
0x121: {  	v38 =	vor.u32 v1, v18;
	v46 =	vld.idx.msk [tilespmem:v56+s15+$0x0], $0xffff  }
0x122: {  	v41 =	vor.u32 v1, v21;
	v34 =	vld.idx.msk [tilespmem:v22+s15+$0x0], $0xffff  }
0x123: {  	v37 =	vor.u32 v1, v23;
	v36 =	vld.idx.msk [tilespmem:v25+s15+$0x0], $0xffff;
	[tilespmem:v27+s22+$0x0] =	vst.idx.msk $0xffff, v10  }
0x124: {  	v40 =	vor.u32 v1, v24;
	[tilespmem:v30+s22+$0x0] =	vst.idx.msk $0xffff, v28;
	v28 =	vld.idx.msk [tilespmem:v29+s15+$0x0], $0xffff  }
0x125: {  	v35 =	vor.u32 v1, v13;
	[tilespmem:v32+s22+$0x0] =	vst.idx.msk $0xffff, v31;
	v42 =	vld.idx.msk [tilespmem:v15+s17+$0x0], $0xffff  }
0x126: {  	v10 =	vshll.u32 v20, $0x7;
	[tilespmem:v38+s22+$0x0] =	vst.idx.msk $0xffff, v33;
	v17 =	vld.idx.msk [tilespmem:v17+s17+$0x0], $0xffff  }
0x127: {  	[tilespmem:v41+s22+$0x0] =	vst.idx.msk $0xffff, v39;
	v20 =	vor.u32 v10, v16;
	v19 =	vld.idx.msk [tilespmem:v19+s17+$0x0], $0xffff  }
0x128: {  	v12 =	vld.idx.msk [tilespmem:v12+s17+$0x0], $0xffff;
	[tilespmem:v37+s22+$0x0] =	vst.idx.msk $0xffff, v36  }
0x129: {  	v31 =	vor.u32 v10, v18;
	v25 =	vld.idx.msk [tilespmem:v25+s17+$0x0], $0xffff;
	[tilespmem:v40+s22+$0x0] =	vst.idx.msk $0xffff, v28  }
0x12a: {  	[tilespmem:v35+s22+$0x0] =	vst.idx.msk $0xffff, v34;
	v63 =	vor.u32 v10, v14;
	v29 =	vld.idx.msk [tilespmem:v29+s17+$0x0], $0xffff  }
0x12b: {  	v28 =	vor.u32 v10, v23;
	[tilespmem:v32+s23+$0x0] =	vst.idx.msk $0xffff, v17;
	v17 =	vld.idx.msk [tilespmem:v26+s17+$0x0], $0xffff  }
0x12c: {  	v16 =	vor.u32 v2, v16;
	v26 =	vor.u32 v10, v21;
	[tilespmem:v38+s23+$0x0] =	vst.idx.msk $0xffff, v19;
	v32 =	vld.idx.msk [tilespmem:v20+s15+$0x0], $0xffff  }
0x12d: {  	v22 =	vld.idx.msk [tilespmem:v22+s17+$0x0], $0xffff;
	[tilespmem:v30+s23+$0x0] =	vst.idx.msk $0xffff, v42  }
0x12e: {  	s31 =	simm.s32 $0xA;
	v18 =	vor.u32 v2, v18;
	v49 =	vld.idx.msk [tilespmem:v31+s15+$0x0], $0xffff;
	[tilespmem:v37+s23+$0x0] =	vst.idx.msk $0xffff, v25;
	v25 =	vor.u32 v10, v24  }
0x12f: {  	v51 =	vadd.s32 s31, v0;
	v50 =	vld.idx.msk [tilespmem:v63+s15+$0x0], $0xffff;
	[tilespmem:v40+s23+$0x0] =	vst.idx.msk $0xffff, v29  }
0x130: {  	v15 =	vor.u32 v10, v13;
	v23 =	vor.u32 v2, v23;
	v19 =	vld.idx.msk [tilespmem:v28+s15+$0x0], $0xffff;
	[tilespmem:v41+s23+$0x0] =	vst.idx.msk $0xffff, v17  }
0x131: {  	v21 =	vor.u32 v2, v21;
	v29 =	vor.u32 v10, v11;
	[tilespmem:v16+s22+$0x0] =	vst.idx.msk $0xffff, v32;
	v17 =	vld.idx.msk [tilespmem:v26+s15+$0x0], $0xffff  }
0x132: {  	s29 =	simm.s32 $0x8;
	v38 =	vor.u32 v2, v11;
	[tilespmem:v27+s23+$0x0] =	vst.idx.msk $0xffff, v12;
	v32 =	vor.u32 v2, v14;
	v20 =	vld.idx.msk [tilespmem:v20+s17+$0x0], $0xffff  }
0x133: {  	s30 =	simm.s32 $0x9;
	v36 =	vand.u32 $0x7F, v51;
	v24 =	vor.u32 v2, v24;
	v11 =	vadd.s32 s29, v0;
	[tilespmem:v18+s22+$0x0] =	vst.idx.msk $0xffff, v49;
	v14 =	vld.idx.msk [tilespmem:v25+s15+$0x0], $0xffff  }
0x134: {  	s28 =	simm.s32 $0xC;
	[tilespmem:v35+s23+$0x0] =	vst.idx.msk $0xffff, v22;
	v30 =	vand.u32 $0x7F, v11;
	v11 =	vadd.s32 s30, v0;
	v27 =	vld.idx.msk [tilespmem:v31+s17+$0x0], $0xffff;
	v31 =	vor.u32 v9, v36  }
0x135: {  	v12 =	vadd.s32 s28, v0;
	v22 =	vld.idx.msk [tilespmem:v15+s15+$0x0], $0xffff;
	s29 =	simm.s32 $0xD;
	v11 =	vand.u32 $0x7F, v11;
	[tilespmem:v23+s22+$0x0] =	vst.idx.msk $0xffff, v19  }
0x136: {  	v57 =	vand.u32 $0x7F, v12;
	v12 =	vadd.s32 s29, v0;
	v52 =	vor.u32 v9, v11;
	v55 =	vld.idx.msk [tilespmem:v29+s15+$0x0], $0xffff;
	[tilespmem:v21+s22+$0x0] =	vst.idx.msk $0xffff, v17  }
0x137: {  	v12 =	vand.u32 $0x7F, v12;
	v19 =	vor.u32 v9, v30;
	v28 =	vld.idx.msk [tilespmem:v28+s17+$0x0], $0xffff;
	[tilespmem:v32+s22+$0x0] =	vst.idx.msk $0xffff, v50  }
0x138: {  	s30 =	simm.s32 $0xE;
	v58 =	vor.u32 v9, v12;
	[tilespmem:v16+s23+$0x0] =	vst.idx.msk $0xffff, v20;
	v16 =	vld.idx.msk [tilespmem:v26+s17+$0x0], $0xffff  }
0x139: {  	s31 =	simm.s32 $0xF;
	v60 =	vor.u32 v1, v36;
	v17 =	vadd.s32 s30, v0;
	[tilespmem:v24+s22+$0x0] =	vst.idx.msk $0xffff, v14;
	v45 =	vld.idx.msk [tilespmem:v31+s15+$0x0], $0xffff  }
0x13a: {  	v20 =	vor.u32 v9, v57;
	v43 =	vand.u32 $0x7F, v17;
	v17 =	vadd.s32 s31, v0;
	[tilespmem:v18+s23+$0x0] =	vst.idx.msk $0xffff, v27;
	v25 =	vld.idx.msk [tilespmem:v25+s17+$0x0], $0xffff  }
0x13b: {  	v14 =	vor.u32 v1, v30;
	v27 =	vor.u32 v1, v11;
	v44 =	vld.idx.msk [tilespmem:v52+s15+$0x0], $0xffff;
	[tilespmem:v38+s22+$0x0] =	vst.idx.msk $0xffff, v55  }
0x13c: {  	v59 =	vor.u32 v9, v43;
	v17 =	vand.u32 $0x7F, v17;
	v26 =	vld.idx.msk [tilespmem:v19+s15+$0x0], $0xffff;
	[tilespmem:v23+s23+$0x0] =	vst.idx.msk $0xffff, v28  }
0x13d: {  	v47 =	vor.u32 v1, v12;
	v18 =	vor.u32 v9, v17;
	v23 =	vld.idx.msk [tilespmem:v58+s15+$0x0], $0xffff;
	[tilespmem:v21+s23+$0x0] =	vst.idx.msk $0xffff, v16  }
0x13e: {  	v62 =	vld.idx.msk [tilespmem:v29+s17+$0x0], $0xffff;
	v16 =	vor.u32 v1, v54;
	[tilespmem:v60+s22+$0x0] =	vst.idx.msk $0xffff, v45  }
0x13f: {  	v28 =	vor.u32 v1, v57;
	v21 =	vld.idx.msk [tilespmem:v20+s15+$0x0], $0xffff;
	[tilespmem:v24+s23+$0x0] =	vst.idx.msk $0xffff, v25  }
0x140: {  	[tilespmem:v27+s22+$0x0] =	vst.idx.msk $0xffff, v44;
	v45 =	vld.idx.msk [tilespmem:v31+s17+$0x0], $0xffff  }
0x141: {  	[tilespmem:v14+s22+$0x0] =	vst.idx.msk $0xffff, v26;
	v26 =	vld.idx.msk [tilespmem:v59+s15+$0x0], $0xffff  }
0x142: {  	v61 =	vor.u32 v1, v17;
	v25 =	vld.idx.msk [tilespmem:v18+s15+$0x0], $0xffff;
	[tilespmem:v47+s22+$0x0] =	vst.idx.msk $0xffff, v23  }
0x143: {  	v48 =	vor.u32 v10, v36;
	v24 =	vor.u32 v1, v43;
	v34 =	vld.idx.msk [tilespmem:v52+s17+$0x0], $0xffff;
	[tilespmem:v16+s22+$0x0] =	vst.idx.msk $0xffff, v46  }
0x144: {  	v31 =	vor.u32 v2, v13;
	[tilespmem:v28+s22+$0x0] =	vst.idx.msk $0xffff, v21;
	v21 =	vld.idx.msk [tilespmem:v58+s17+$0x0], $0xffff  }
0x145: {  	[tilespmem:v38+s23+$0x0] =	vst.idx.msk $0xffff, v62;
	v40 =	vld.idx.msk [tilespmem:v56+s17+$0x0], $0xffff  }
0x146: {  	[tilespmem:v60+s23+$0x0] =	vst.idx.msk $0xffff, v45;
	v20 =	vld.idx.msk [tilespmem:v20+s17+$0x0], $0xffff  }
0x147: {  	[tilespmem:v61+s22+$0x0] =	vst.idx.msk $0xffff, v25;
	v25 =	vld.idx.msk [tilespmem:v63+s17+$0x0], $0xffff  }
0x148: {  	v13 =	vor.u32 v10, v12;
	[tilespmem:v24+s22+$0x0] =	vst.idx.msk $0xffff, v26;
	v63 =	vld.idx.msk [tilespmem:v48+s15+$0x0], $0xffff  }
0x149: {  	[tilespmem:v31+s22+$0x0] =	vst.idx.msk $0xffff, v22;
	v26 =	vor.u32 v10, v54;
	v23 =	vld.idx.msk [tilespmem:v59+s17+$0x0], $0xffff  }
0x14a: {  	[tilespmem:v27+s23+$0x0] =	vst.idx.msk $0xffff, v34;
	v27 =	vor.u32 v10, v43;
	v37 =	vld.idx.msk [tilespmem:v15+s17+$0x0], $0xffff  }
0x14b: {  	v29 =	vor.u32 v2, v36;
	v22 =	vor.u32 v10, v57;
	v34 =	vld.idx.msk [tilespmem:v19+s17+$0x0], $0xffff;
	[tilespmem:v47+s23+$0x0] =	vst.idx.msk $0xffff, v21  }
0x14c: {  	v18 =	vld.idx.msk [tilespmem:v18+s17+$0x0], $0xffff;
	[tilespmem:v16+s23+$0x0] =	vst.idx.msk $0xffff, v40  }
0x14d: {  	v16 =	vld.idx.msk [tilespmem:v13+s15+$0x0], $0xffff;
	[tilespmem:v28+s23+$0x0] =	vst.idx.msk $0xffff, v20  }
0x14e: {  	v33 =	vld.idx.msk [tilespmem:v26+s15+$0x0], $0xffff;
	[tilespmem:v24+s23+$0x0] =	vst.idx.msk $0xffff, v23;
	v24 =	vor.u32 v10, v17  }
0x14f: {  	v15 =	vor.u32 v10, v11;
	[tilespmem:v32+s23+$0x0] =	vst.idx.msk $0xffff, v25;
	v23 =	vor.u32 v2, v43;
	v36 =	vld.idx.msk [tilespmem:v27+s15+$0x0], $0xffff  }
0x150: {  	v21 =	vor.u32 v10, v30;
	v28 =	vor.u32 v2, v54;
	[tilespmem:v29+s22+$0x0] =	vst.idx.msk $0xffff, v63;
	v35 =	vld.idx.msk [tilespmem:v22+s15+$0x0], $0xffff  }
0x151: {  	s25 =	simm.s32 $0x10;
	v25 =	vor.u32 v2, v30;
	v30 =	vor.u32 v2, v57;
	[tilespmem:v61+s23+$0x0] =	vst.idx.msk $0xffff, v18;
	v32 =	vld.idx.msk [tilespmem:v48+s17+$0x0], $0xffff  }
.LBB2_9:
0x152: {  	s26 =	sadd.s32 $0x1, s25  }
0x153: {  	v19 =	vadd.s32 s25, v0;
	p3 =	slt.u32 s25, $0x78;
	v20 =	vor.u32 v2, v11;
	v38 =	vld.idx.msk [tilespmem:v24+s15+$0x0], $0xffff;
	[tilespmem:v31+s23+$0x0] =	vst.idx.msk $0xffff, v37;
	v18 =	vmov v25;
	s28 =	smov.u32 s25;
	s25 =	sadd.s32 $0x8, s25  }
0x154: {  	v19 =	vand.u32 $0x7F, v19;
	v11 =	vadd.s32 s26, v0;
	s26 =	sadd.s32 $0x2, s28;
	v31 =	vld.idx.msk [tilespmem:v15+s15+$0x0], $0xffff;
	[tilespmem:v23+s22+$0x0] =	vst.idx.msk $0xffff, v36;
	v36 =	vor.u32 v2, v17  }
0x155: {  	v25 =	vor.u32 v9, v19;
	v11 =	vand.u32 $0x7F, v11;
	v17 =	vadd.s32 s26, v0;
	s26 =	sadd.s32 $0x3, s28;
	[tilespmem:v28+s22+$0x0] =	vst.idx.msk $0xffff, v33;
	v27 =	vld.idx.msk [tilespmem:v27+s17+$0x0], $0xffff  }
0x156: {  	v33 =	vor.u32 v9, v11;
	v37 =	vand.u32 $0x7F, v17;
	v17 =	vadd.s32 s26, v0;
	s26 =	sadd.s32 $0x4, s28;
	[tilespmem:v14+s23+$0x0] =	vst.idx.msk $0xffff, v34;
	v26 =	vld.idx.msk [tilespmem:v26+s17+$0x0], $0xffff  }
0x157: {  	v34 =	vor.u32 v9, v37;
	v39 =	vand.u32 $0x7F, v17;
	v14 =	vadd.s32 s26, v0;
	s26 =	sadd.s32 $0x5, s28;
	v40 =	vld.idx.msk [tilespmem:v21+s15+$0x0], $0xffff;
	[tilespmem:v30+s22+$0x0] =	vst.idx.msk $0xffff, v35  }
0x158: {  	v35 =	vor.u32 v9, v39;
	v41 =	vand.u32 $0x7F, v14;
	v14 =	vadd.s32 s26, v0;
	s26 =	sadd.s32 $0x6, s28;
	[tilespmem:v29+s23+$0x0] =	vst.idx.msk $0xffff, v32;
	v22 =	vld.idx.msk [tilespmem:v22+s17+$0x0], $0xffff  }
0x159: {  	v29 =	vor.u32 v9, v41;
	v32 =	vand.u32 $0x7F, v14;
	v14 =	vadd.s32 s26, v0;
	s26 =	sadd.s32 $0x7, s28;
	[tilespmem:v36+s22+$0x0] =	vst.idx.msk $0xffff, v38  }
0x15a: {  	v38 =	vld.idx.msk [tilespmem:v25+s15+$0x0], $0xffff;
	v42 =	vor.u32 v9, v32;
	v43 =	vand.u32 $0x7F, v14;
	v17 =	vadd.s32 s26, v0;
	[tilespmem:v20+s22+$0x0] =	vst.idx.msk $0xffff, v31  }
0x15b: {  	v14 =	vor.u32 v1, v19;
	v44 =	vor.u32 v9, v43;
	v17 =	vand.u32 $0x7F, v17;
	v24 =	vld.idx.msk [tilespmem:v24+s17+$0x0], $0xffff  }
0x15c: {  	v31 =	vld.idx.msk [tilespmem:v33+s15+$0x0], $0xffff;
	v45 =	vor.u32 v9, v17;
	v46 =	vor.u32 v1, v17;
	[tilespmem:v28+s23+$0x0] =	vst.idx.msk $0xffff, v26  }
0x15d: {  	v47 =	vor.u32 v1, v37;
	v28 =	vor.u32 v1, v11;
	v26 =	vld.idx.msk [tilespmem:v34+s15+$0x0], $0xffff;
	[tilespmem:v18+s22+$0x0] =	vst.idx.msk $0xffff, v40  }
0x15e: {  	v48 =	vor.u32 v1, v39;
	v40 =	vld.idx.msk [tilespmem:v35+s15+$0x0], $0xffff;
	[tilespmem:v30+s23+$0x0] =	vst.idx.msk $0xffff, v22  }
0x15f: {  	v30 =	vor.u32 v1, v41;
	v22 =	vld.idx.msk [tilespmem:v29+s15+$0x0], $0xffff;
	[tilespmem:v23+s23+$0x0] =	vst.idx.msk $0xffff, v27  }
0x160: {  	[tilespmem:v14+s22+$0x0] =	vst.idx.msk $0xffff, v38;
	v23 =	vld.idx.msk [tilespmem:v42+s15+$0x0], $0xffff;
	v38 =	vor.u32 v1, v32  }
0x161: {  	v49 =	vor.u32 v1, v43;
	v27 =	vld.idx.msk [tilespmem:v44+s15+$0x0], $0xffff;
	[tilespmem:v36+s23+$0x0] =	vst.idx.msk $0xffff, v24  }
0x162: {  	[tilespmem:v28+s22+$0x0] =	vst.idx.msk $0xffff, v31;
	v24 =	vld.idx.msk [tilespmem:v45+s15+$0x0], $0xffff  }
0x163: {  	v33 =	vld.idx.msk [tilespmem:v33+s17+$0x0], $0xffff;
	[tilespmem:v47+s22+$0x0] =	vst.idx.msk $0xffff, v26  }
0x164: {  	v36 =	vor.u32 v10, v11;
	v34 =	vld.idx.msk [tilespmem:v34+s17+$0x0], $0xffff;
	[tilespmem:v48+s22+$0x0] =	vst.idx.msk $0xffff, v40  }
0x165: {  	v35 =	vld.idx.msk [tilespmem:v35+s17+$0x0], $0xffff;
	[tilespmem:v30+s22+$0x0] =	vst.idx.msk $0xffff, v22  }
0x166: {  	v31 =	vor.u32 v2, v12;
	v26 =	vor.u32 v10, v39;
	[tilespmem:v38+s22+$0x0] =	vst.idx.msk $0xffff, v23;
	v40 =	vld.idx.msk [tilespmem:v21+s17+$0x0], $0xffff  }
0x167: {  	v50 =	vor.u32 v10, v37;
	v22 =	vor.u32 v10, v41;
	v21 =	vld.idx.msk [tilespmem:v42+s17+$0x0], $0xffff;
	[tilespmem:v49+s22+$0x0] =	vst.idx.msk $0xffff, v27  }
0x168: {  	v12 =	vmov v32;
	v23 =	vor.u32 v10, v32;
	v42 =	vld.idx.msk [tilespmem:v44+s17+$0x0], $0xffff;
	[tilespmem:v46+s22+$0x0] =	vst.idx.msk $0xffff, v24  }
0x169: {  	v27 =	vor.u32 v10, v43;
	[tilespmem:v28+s23+$0x0] =	vst.idx.msk $0xffff, v33;
	v28 =	vld.idx.msk [tilespmem:v15+s17+$0x0], $0xffff;
	v15 =	vmov v36  }
0x16a: {  	v24 =	vor.u32 v10, v17;
	[tilespmem:v47+s23+$0x0] =	vst.idx.msk $0xffff, v34;
	v32 =	vld.idx.msk [tilespmem:v45+s17+$0x0], $0xffff  }
0x16b: {  	[tilespmem:v48+s23+$0x0] =	vst.idx.msk $0xffff, v35;
	v35 =	vld.idx.msk [tilespmem:v29+s17+$0x0], $0xffff  }
0x16c: {  	v44 =	vld.idx.msk [tilespmem:v50+s15+$0x0], $0xffff;
	[tilespmem:v31+s22+$0x0] =	vst.idx.msk $0xffff, v16  }
0x16d: {  	v29 =	vor.u32 v2, v37;
	[tilespmem:v38+s23+$0x0] =	vst.idx.msk $0xffff, v21;
	v37 =	vld.idx.msk [tilespmem:v13+s17+$0x0], $0xffff;
	v13 =	vmov v23  }
0x16e: {  	v16 =	vld.idx.msk [tilespmem:v23+s15+$0x0], $0xffff;
	[tilespmem:v49+s23+$0x0] =	vst.idx.msk $0xffff, v42  }
.Ltmp7:
0x16f: {  	v36 =	vld.idx.msk [tilespmem:v27+s15+$0x0], $0xffff;
	[tilespmem:v20+s23+$0x0] =	vst.idx.msk $0xffff, v28;
	(pc) =	sbr.rel @p3 .LBB2_9-.Ltmp7, $4  }
0x170: {  	v23 =	vor.u32 v2, v43;
	v33 =	vld.idx.msk [tilespmem:v26+s15+$0x0], $0xffff;
	[tilespmem:v46+s23+$0x0] =	vst.idx.msk $0xffff, v32  }
0x171: {  	v28 =	vor.u32 v2, v39;
	v34 =	vld.idx.msk [tilespmem:v25+s17+$0x0], $0xffff;
	[tilespmem:v30+s23+$0x0] =	vst.idx.msk $0xffff, v35  }
0x172: {  	v25 =	vor.u32 v2, v19;
	[tilespmem:v29+s22+$0x0] =	vst.idx.msk $0xffff, v44;
	v35 =	vld.idx.msk [tilespmem:v22+s15+$0x0], $0xffff  }
0x173: {  	v21 =	vor.u32 v10, v19;
	v30 =	vor.u32 v2, v41;
	v32 =	vld.idx.msk [tilespmem:v50+s17+$0x0], $0xffff;
	[tilespmem:v18+s23+$0x0] =	vst.idx.msk $0xffff, v40  }
.Ltmp8:
0x174: {  	_ = 	snop;
	(pc) =	sbr.rel .LBB2_10-.Ltmp8, $1  }
0x175: {  	_ =	sdelay $0x3  }
.LBB2_12:
0x176: {  	_ =	sfence.sel $0x180000  }
0x177: {  	[bflag:$0x0] =	sbarrier.arrive $0xFFFF  }
0x178: {  	p0 =	sne.s32 s2, $0x0;
	_ =	strace $0x90000047  }
0x179: {  	s0 =	sadd.s32 @!p0 $0x100000, s0;
	[bflag:$0x2] =	sbarrier.arrive $0xFFFF  }
0x17a: {  	[sflag:s0] =	ssyncadd.tile.s32 @!p0 $0x1;
	_ =	shalt  }
.Lfunc_end2:
_tile_overlayer_lowered:
.L_overlay_start_2:
0x17b: {  	(tag) =	ssettag $0x2  }
0x17c: {  	s0 =	rddreg [dreg:$0x0];
	s2 =	stileid.u32  }
0x17d: {  	s1 =	rddreg [dreg:$0x1];
	p0 =	sne.s32 s2, $0x0  }
0x17e: {  	s3 =	rddreg [dreg:$0x2];
	[bflag:$0x3] =	sbarrier.arrive $0xFFFF;
	s2 =	simm.s32 @!p0 $0x1C03  }
0x17f: {  	[timem:s3], [sflag:s2] =	dma.local @!p0 [hbm:s0], s1  }
0x180: {  	s0 =	simm.s32 @!p0 $0x3  }
0x181: {  	_ =	swait.ge @!p0 [sflag:s0], s1  }
0x182: {  	s1 =	ssub.s32 @!p0 $0x0, s1;
	[sflag:s0] =	ssyncset.done @!p0 $0x0  }
0x183: {  	[sflag:s0] =	ssyncadd.s32 @!p0 s1  }
0x184: {  	[bflag:$0x3] =	sbarrier.arrive $0xFFFF  }
0x185: {  	_ =	shalt  }

</sc_bundles>
